<compile_context>
chip_gen: v7x
topology: tpu7x:2x2x1
jax: 0.10.2.dev20260603
libtpu: 0.0.44.dev20260713+nightly
codegen_flags: <defaults>
</compile_context>

<pallas_src>
import functools

import jax
import jax.numpy as jnp
from jax import lax
from jax.experimental import pallas as pl
from jax.experimental.pallas import tpu as pltpu
from jax.experimental.pallas import tpu_sc as plsc

_N_EMB = 8192
_EMB_DIM = 32
_BETA = 0.25
_ROWS = 16384
_R = 512
_CHUNK = 1024
_HALF = _N_EMB // 2
_LANES = 128

_NW = 32
_IDX_CHUNK = 128
_B_PER_W = _ROWS // _NW
_CH_PER_W = _B_PER_W // _IDX_CHUNK


def _assign_body(zsq_ref, esq_ref, z_ref, embr_ref, idx_ref, dsum_ref):
    zb = z_ref[0].astype(jnp.bfloat16)
    zsq = zsq_ref[...]
    lane = lax.broadcasted_iota(
        jnp.int32, (_R, _LANES), 1).astype(jnp.float32)
    halves = []
    for h in range(2):
        acc_v = jnp.full((_R, _LANES), jnp.inf, dtype=jnp.float32)
        acc_i = jnp.zeros((_R, _LANES), dtype=jnp.float32)
        for c in range(_HALF // _CHUNK):
            c0 = h * _HALF + c * _CHUNK
            p2 = lax.dot_general(
                zb, embr_ref[c0:c0 + _CHUNK, :],
                dimension_numbers=(((0,), (1,)), ((), ())),
                preferred_element_type=jnp.float32)
            for s in range(_CHUNK // _LANES):
                s0 = s * _LANES
                d_s = (zsq + esq_ref[:, c0 + s0:c0 + s0 + _LANES]) \
                    + p2[:, s0:s0 + _LANES]
                take = d_s < acc_v
                acc_v = jnp.minimum(acc_v, d_s)
                acc_i = jnp.where(take, float((c0 + s0) // _LANES), acc_i)
        m = jnp.min(acc_v, axis=1, keepdims=True)
        gidx = acc_i * float(_LANES) + lane
        li = jnp.min(jnp.where(acc_v == m, gidx, float(_N_EMB)),
                     axis=1, keepdims=True)
        halves.append((m, li))
    (va, ia), (vb, ib) = halves
    va_b = va.astype(jnp.bfloat16).astype(jnp.float32)
    pick_b = vb < va_b
    idx_ref[...] = jnp.where(pick_b, ib, ia).astype(jnp.int32)
    vsel = jnp.where(pick_b, vb, va)

    @pl.when(pl.program_id(0) == 0)
    def _init():
        dsum_ref[...] = jnp.zeros_like(dsum_ref)

    dsum_ref[...] += jnp.sum(vsel)


def _assign(z, zsq, esq, embr_bf16):
    grid = (_ROWS // _R,)
    blocks_per_batch = 2048 // _R
    return pl.pallas_call(
        _assign_body,
        grid=grid,
        in_specs=[
            pl.BlockSpec((_R, 1), lambda i: (i, 0)),
            pl.BlockSpec((1, _N_EMB), lambda i: (0, 0)),
            pl.BlockSpec((1, _EMB_DIM, _R),
                         lambda i: (i // blocks_per_batch, 0,
                                    i % blocks_per_batch)),
            pl.BlockSpec((_N_EMB, _EMB_DIM), lambda i: (0, 0)),
        ],
        out_specs=[
            pl.BlockSpec((_R, 1), lambda i: (i, 0)),
            pl.BlockSpec((1, 1), lambda i: (0, 0)),
        ],
        out_shape=[
            jax.ShapeDtypeStruct((_ROWS, 1), jnp.int32),
            jax.ShapeDtypeStruct((1, 1), jnp.float32),
        ],
    )(zsq, esq, z, embr_bf16)


def _sc_gather_body(table_hbm, idx_hbm, out_hbm, idx_v, rows_v, sem):
    wid = lax.axis_index("s") * 2 + lax.axis_index("c")
    pltpu.sync_copy(idx_hbm.at[pl.ds(wid * _CH_PER_W, _CH_PER_W)], idx_v)
    copies = []
    for j in range(_CH_PER_W):
        copies.append(pltpu.async_copy(
            table_hbm.at[idx_v.at[j]],
            rows_v.at[pl.ds(j * _IDX_CHUNK, _IDX_CHUNK)],
            sem))
    for cp in copies:
        cp.wait()
    pltpu.sync_copy(rows_v, out_hbm.at[pl.ds(wid * _B_PER_W, _B_PER_W)])


def _sc_gather(emb_weight, idx_grid):
    return pl.kernel(
        _sc_gather_body,
        out_type=jax.ShapeDtypeStruct((_ROWS, _EMB_DIM), jnp.float32),
        mesh=plsc.VectorSubcoreMesh(core_axis_name="c", subcore_axis_name="s"),
        scratch_types=[
            pltpu.VMEM((_CH_PER_W, _IDX_CHUNK), jnp.int32),
            pltpu.VMEM((_B_PER_W, _EMB_DIM), jnp.float32),
            pltpu.SemaphoreType.DMA,
        ],
        compiler_params=pltpu.CompilerParams(use_tc_tiling_on_sc=False),
    )(emb_weight, idx_grid)


def kernel(z, emb_weight):
    zsq = jnp.sum(z ** 2, axis=1).reshape(_ROWS, 1)
    esq = jnp.sum(emb_weight ** 2, axis=1).reshape(1, _N_EMB)
    embr = (-2.0 * emb_weight).astype(jnp.bfloat16)

    idx2, dsum = _assign(z, zsq, esq, embr)
    encoding_indices = idx2.reshape(_ROWS)

    idx_grid = idx2.reshape(_NW * _CH_PER_W, _IDX_CHUNK)
    z_q_flat = _sc_gather(emb_weight, idx_grid)

    z_q_t = jnp.transpose(z_q_flat.reshape(8, 2048, _EMB_DIM), (0, 2, 1))
    m = dsum[0, 0] / (_ROWS * _EMB_DIM)
    loss = _BETA * m + m
    z_q_out = z + (z_q_t - z)
    return (z_q_out, loss, encoding_indices)

# --- scband reference (transcript-rebuilt; emitter-appended) ---
"""Pipeline reference for scband-vqembedding-78202764526046 (READ-ONLY COPY).

The authoritative reference and input builder live on the scoring server;
editing this copy changes nothing except your own understanding.
"""

import jax, jax.numpy as jnp
import numpy as np

N_EMB = 8192
EMB_DIM = 32
BETA = 0.25

def setup_inputs(seed: int = 0) -> dict:
    key = jax.random.key(seed)
    k1, k2 = jax.random.split(key)
    z = jax.random.normal(k1, (8, 32, 2048), dtype=jnp.float32)
    emb_weight = jax.random.uniform(k2, (N_EMB, EMB_DIM), dtype=jnp.float32, minval=-1.0 / N_EMB, maxval=1.0 / N_EMB)
    return {"z": z, "emb_weight": emb_weight}

def reference(z, emb_weight):
    # rearrange 'b c l -> b l c'
    z_t = jnp.transpose(z, (0, 2, 1))
    z_flat = z_t.reshape(-1, EMB_DIM)
    distances = (jnp.sum(z_flat ** 2, axis=1, keepdims=True)
                 + jnp.sum(emb_weight ** 2, axis=1)
                 - 2.0 * (z_flat @ emb_weight.T))
    encoding_indices = jnp.argmin(distances, axis=-1)
    z_q = jnp.take(emb_weight, encoding_indices, axis=0).reshape(z_t.shape)
    loss = (BETA * jnp.mean((jax.lax.stop_gradient(z_q) - z_t) ** 2)
            + jnp.mean((z_q - jax.lax.stop_gradient(z_t)) ** 2))
    # straight-through estimator
    z_q_st = z_t + jax.lax.stop_gradient(z_q - z_t)
    # rearrange 'b l c -> b c l'
    z_q_out = jnp.transpose(z_q_st, (0, 2, 1))
    return (z_q_out, loss, encoding_indices)

if __name__ == "__main__":
    import jax
    _d = setup_inputs()
    print(jax.jit(kernel)(*tuple(_d.values())))

</pallas_src>

<mosaic_0001>
#map = affine_map<(d0, d1) -> (0, 0)>
module attributes {stable_mosaic.version = 14 : i64} {
  func.func @_sc_gather_body(%arg0: i32, %arg1: i32, %arg2: memref<8192x32xf32, #tpu.memory_space<hbm>>, %arg3: memref<128x128xi32, #tpu.memory_space<hbm>>, %arg4: memref<16384x32xf32, #tpu.memory_space<hbm>>, %arg5: memref<4x128xi32, #tpu.memory_space<vmem>>, %arg6: memref<512x32xf32, #tpu.memory_space<vmem>>, %arg7: memref<!tpu.dma_semaphore, #tpu.memory_space<semaphore_mem>>) attributes {dimension_semantics = [#tpu.dimension_semantics<core_parallel>, #tpu.dimension_semantics<subcore_parallel>], iteration_bounds = array<i64: 2, 16>, scalar_prefetch = 0 : i64, scratch_operands = 3 : i64, tpu.core_type = #tpu.core_type<sc_vector_subcore>, window_params = [{transform_indices = #map}, {transform_indices = #map}, {transform_indices = #map}]} {
    %mul3A = arith.constant 2 : i32
    %mul3A_0 = arith.muli %arg1, %mul3A : i32
    %add3A = arith.addi %mul3A_0, %arg0 : i32
    %mul3A_1 = arith.constant 4 : i32
    %mul3A_2 = arith.muli %add3A, %mul3A_1 : i32
    "tpu.region"() ({
      %run_scoped3A = tpu.sem_alloc : memref<!tpu.dma_semaphore, #tpu.memory_space<semaphore_mem>>
      %dma_start3A_83 = arith.constant 0 : i32
      %dma_start3A_84 = tpu.memref_slice %arg3[%mul3A_2, %dma_start3A_83] : memref<128x128xi32, #tpu.memory_space<hbm>> -> memref<4x128xi32, #tpu.memory_space<hbm>>
      %dma_start3A_85 = arith.constant 0 : i32
      %dma_start3A_86 = tpu.memref_slice %arg3[%mul3A_2, %dma_start3A_85] : memref<128x128xi32, #tpu.memory_space<hbm>> -> memref<4x128xi32, #tpu.memory_space<hbm>>
      tpu.enqueue_dma source(%dma_start3A_86 : memref<4x128xi32, #tpu.memory_space<hbm>>) target(%arg5 : memref<4x128xi32, #tpu.memory_space<vmem>>) target_semaphore(%run_scoped3A : memref<!tpu.dma_semaphore, #tpu.memory_space<semaphore_mem>>)
      %dma_wait3A_87 = arith.constant 0 : i32
      %dma_wait3A_88 = tpu.memref_slice %arg3[%mul3A_2, %dma_wait3A_87] : memref<128x128xi32, #tpu.memory_space<hbm>> -> memref<4x128xi32, #tpu.memory_space<hbm>>
      %dma_wait3A_89 = arith.constant 0 : i32
      %dma_wait3A_90 = tpu.memref_slice %arg3[%mul3A_2, %dma_wait3A_89] : memref<128x128xi32, #tpu.memory_space<hbm>> -> memref<4x128xi32, #tpu.memory_space<hbm>>
      tpu.wait_dma2 semaphore(%run_scoped3A : memref<!tpu.dma_semaphore, #tpu.memory_space<semaphore_mem>>) src(%dma_wait3A_90 : memref<4x128xi32, #tpu.memory_space<hbm>>) dst(%arg5 : memref<4x128xi32, #tpu.memory_space<vmem>>)
      tpu.yield
    }) : () -> ()
    %dma_start3A = arith.constant 0 : i32
    %dma_start3A_3 = arith.constant 0 : i32
    %dma_start3A_4 = arith.constant 0 : i32
    %dma_start3A_5 = tpu.memref_slice %arg6[%dma_start3A_3, %dma_start3A_4] : memref<512x32xf32, #tpu.memory_space<vmem>> -> memref<128x32xf32, #tpu.memory_space<vmem>>
    %dma_start3A_6 = arith.constant 0 : i32
    %dma_start3A_7 = tpu.memref_slice %arg5[%dma_start3A, %dma_start3A_6] : memref<4x128xi32, #tpu.memory_space<vmem>> -> memref<1x128xi32, #tpu.memory_space<vmem>>
    %dma_start3A_8 = tpu.memref_squeeze %dma_start3A_7 : memref<1x128xi32, #tpu.memory_space<vmem>> -> memref<128xi32, #tpu.memory_space<vmem>>
    %dma_start3A_9 = arith.constant 0 : i32
    %dma_start3A_10 = arith.constant 0 : i32
    %dma_start3A_11 = tpu.memref_slice %arg2[%dma_start3A_9, %dma_start3A_10] : memref<8192x32xf32, #tpu.memory_space<hbm>> -> memref<8192x32xf32, #tpu.memory_space<hbm>>
    tpu.enqueue_indirect_dma source(%dma_start3A_11 : memref<8192x32xf32, #tpu.memory_space<hbm>>) target(%dma_start3A_5 : memref<128x32xf32, #tpu.memory_space<vmem>>) offsets(%dma_start3A_8 : memref<128xi32, #tpu.memory_space<vmem>>) semaphore(%arg7 : memref<!tpu.dma_semaphore, #tpu.memory_space<semaphore_mem>>)
    %dma_start3A_12 = arith.constant 1 : i32
    %dma_start3A_13 = arith.constant 128 : i32
    %dma_start3A_14 = arith.constant 0 : i32
    %dma_start3A_15 = tpu.memref_slice %arg6[%dma_start3A_13, %dma_start3A_14] : memref<512x32xf32, #tpu.memory_space<vmem>> -> memref<128x32xf32, #tpu.memory_space<vmem>>
    %dma_start3A_16 = arith.constant 0 : i32
    %dma_start3A_17 = tpu.memref_slice %arg5[%dma_start3A_12, %dma_start3A_16] : memref<4x128xi32, #tpu.memory_space<vmem>> -> memref<1x128xi32, #tpu.memory_space<vmem>>
    %dma_start3A_18 = tpu.memref_squeeze %dma_start3A_17 : memref<1x128xi32, #tpu.memory_space<vmem>> -> memref<128xi32, #tpu.memory_space<vmem>>
    %dma_start3A_19 = arith.constant 0 : i32
    %dma_start3A_20 = arith.constant 0 : i32
    %dma_start3A_21 = tpu.memref_slice %arg2[%dma_start3A_19, %dma_start3A_20] : memref<8192x32xf32, #tpu.memory_space<hbm>> -> memref<8192x32xf32, #tpu.memory_space<hbm>>
    tpu.enqueue_indirect_dma source(%dma_start3A_21 : memref<8192x32xf32, #tpu.memory_space<hbm>>) target(%dma_start3A_15 : memref<128x32xf32, #tpu.memory_space<vmem>>) offsets(%dma_start3A_18 : memref<128xi32, #tpu.memory_space<vmem>>) semaphore(%arg7 : memref<!tpu.dma_semaphore, #tpu.memory_space<semaphore_mem>>)
    %dma_start3A_22 = arith.constant 2 : i32
    %dma_start3A_23 = arith.constant 256 : i32
    %dma_start3A_24 = arith.constant 0 : i32
    %dma_start3A_25 = tpu.memref_slice %arg6[%dma_start3A_23, %dma_start3A_24] : memref<512x32xf32, #tpu.memory_space<vmem>> -> memref<128x32xf32, #tpu.memory_space<vmem>>
    %dma_start3A_26 = arith.constant 0 : i32
    %dma_start3A_27 = tpu.memref_slice %arg5[%dma_start3A_22, %dma_start3A_26] : memref<4x128xi32, #tpu.memory_space<vmem>> -> memref<1x128xi32, #tpu.memory_space<vmem>>
    %dma_start3A_28 = tpu.memref_squeeze %dma_start3A_27 : memref<1x128xi32, #tpu.memory_space<vmem>> -> memref<128xi32, #tpu.memory_space<vmem>>
    %dma_start3A_29 = arith.constant 0 : i32
    %dma_start3A_30 = arith.constant 0 : i32
    %dma_start3A_31 = tpu.memref_slice %arg2[%dma_start3A_29, %dma_start3A_30] : memref<8192x32xf32, #tpu.memory_space<hbm>> -> memref<8192x32xf32, #tpu.memory_space<hbm>>
    tpu.enqueue_indirect_dma source(%dma_start3A_31 : memref<8192x32xf32, #tpu.memory_space<hbm>>) target(%dma_start3A_25 : memref<128x32xf32, #tpu.memory_space<vmem>>) offsets(%dma_start3A_28 : memref<128xi32, #tpu.memory_space<vmem>>) semaphore(%arg7 : memref<!tpu.dma_semaphore, #tpu.memory_space<semaphore_mem>>)
    %dma_start3A_32 = arith.constant 3 : i32
    %dma_start3A_33 = arith.constant 384 : i32
    %dma_start3A_34 = arith.constant 0 : i32
    %dma_start3A_35 = tpu.memref_slice %arg6[%dma_start3A_33, %dma_start3A_34] : memref<512x32xf32, #tpu.memory_space<vmem>> -> memref<128x32xf32, #tpu.memory_space<vmem>>
    %dma_start3A_36 = arith.constant 0 : i32
    %dma_start3A_37 = tpu.memref_slice %arg5[%dma_start3A_32, %dma_start3A_36] : memref<4x128xi32, #tpu.memory_space<vmem>> -> memref<1x128xi32, #tpu.memory_space<vmem>>
    %dma_start3A_38 = tpu.memref_squeeze %dma_start3A_37 : memref<1x128xi32, #tpu.memory_space<vmem>> -> memref<128xi32, #tpu.memory_space<vmem>>
    %dma_start3A_39 = arith.constant 0 : i32
    %dma_start3A_40 = arith.constant 0 : i32
    %dma_start3A_41 = tpu.memref_slice %arg2[%dma_start3A_39, %dma_start3A_40] : memref<8192x32xf32, #tpu.memory_space<hbm>> -> memref<8192x32xf32, #tpu.memory_space<hbm>>
    tpu.enqueue_indirect_dma source(%dma_start3A_41 : memref<8192x32xf32, #tpu.memory_space<hbm>>) target(%dma_start3A_35 : memref<128x32xf32, #tpu.memory_space<vmem>>) offsets(%dma_start3A_38 : memref<128xi32, #tpu.memory_space<vmem>>) semaphore(%arg7 : memref<!tpu.dma_semaphore, #tpu.memory_space<semaphore_mem>>)
    %dma_wait3A = arith.constant 0 : i32
    %dma_wait3A_42 = arith.constant 0 : i32
    %dma_wait3A_43 = arith.constant 0 : i32
    %dma_wait3A_44 = tpu.memref_slice %arg6[%dma_wait3A_42, %dma_wait3A_43] : memref<512x32xf32, #tpu.memory_space<vmem>> -> memref<128x32xf32, #tpu.memory_space<vmem>>
    %dma_wait3A_45 = arith.constant 0 : i32
    %dma_wait3A_46 = tpu.memref_slice %arg5[%dma_wait3A, %dma_wait3A_45] : memref<4x128xi32, #tpu.memory_space<vmem>> -> memref<1x128xi32, #tpu.memory_space<vmem>>
    %dma_wait3A_47 = tpu.memref_squeeze %dma_wait3A_46 : memref<1x128xi32, #tpu.memory_space<vmem>> -> memref<128xi32, #tpu.memory_space<vmem>>
    %dma_wait3A_48 = arith.constant 0 : i32
    %dma_wait3A_49 = arith.constant 0 : i32
    %dma_wait3A_50 = tpu.memref_slice %arg2[%dma_wait3A_48, %dma_wait3A_49] : memref<8192x32xf32, #tpu.memory_space<hbm>> -> memref<8192x32xf32, #tpu.memory_space<hbm>>
    tpu.wait_indirect_dma semaphore(%arg7 : memref<!tpu.dma_semaphore, #tpu.memory_space<semaphore_mem>>) src(%dma_wait3A_50 : memref<8192x32xf32, #tpu.memory_space<hbm>>) dst(%dma_wait3A_44 : memref<128x32xf32, #tpu.memory_space<vmem>>)
    %dma_wait3A_51 = arith.constant 1 : i32
    %dma_wait3A_52 = arith.constant 128 : i32
    %dma_wait3A_53 = arith.constant 0 : i32
    %dma_wait3A_54 = tpu.memref_slice %arg6[%dma_wait3A_52, %dma_wait3A_53] : memref<512x32xf32, #tpu.memory_space<vmem>> -> memref<128x32xf32, #tpu.memory_space<vmem>>
    %dma_wait3A_55 = arith.constant 0 : i32
    %dma_wait3A_56 = tpu.memref_slice %arg5[%dma_wait3A_51, %dma_wait3A_55] : memref<4x128xi32, #tpu.memory_space<vmem>> -> memref<1x128xi32, #tpu.memory_space<vmem>>
    %dma_wait3A_57 = tpu.memref_squeeze %dma_wait3A_56 : memref<1x128xi32, #tpu.memory_space<vmem>> -> memref<128xi32, #tpu.memory_space<vmem>>
    %dma_wait3A_58 = arith.constant 0 : i32
    %dma_wait3A_59 = arith.constant 0 : i32
    %dma_wait3A_60 = tpu.memref_slice %arg2[%dma_wait3A_58, %dma_wait3A_59] : memref<8192x32xf32, #tpu.memory_space<hbm>> -> memref<8192x32xf32, #tpu.memory_space<hbm>>
    tpu.wait_indirect_dma semaphore(%arg7 : memref<!tpu.dma_semaphore, #tpu.memory_space<semaphore_mem>>) src(%dma_wait3A_60 : memref<8192x32xf32, #tpu.memory_space<hbm>>) dst(%dma_wait3A_54 : memref<128x32xf32, #tpu.memory_space<vmem>>)
    %dma_wait3A_61 = arith.constant 2 : i32
    %dma_wait3A_62 = arith.constant 256 : i32
    %dma_wait3A_63 = arith.constant 0 : i32
    %dma_wait3A_64 = tpu.memref_slice %arg6[%dma_wait3A_62, %dma_wait3A_63] : memref<512x32xf32, #tpu.memory_space<vmem>> -> memref<128x32xf32, #tpu.memory_space<vmem>>
    %dma_wait3A_65 = arith.constant 0 : i32
    %dma_wait3A_66 = tpu.memref_slice %arg5[%dma_wait3A_61, %dma_wait3A_65] : memref<4x128xi32, #tpu.memory_space<vmem>> -> memref<1x128xi32, #tpu.memory_space<vmem>>
    %dma_wait3A_67 = tpu.memref_squeeze %dma_wait3A_66 : memref<1x128xi32, #tpu.memory_space<vmem>> -> memref<128xi32, #tpu.memory_space<vmem>>
    %dma_wait3A_68 = arith.constant 0 : i32
    %dma_wait3A_69 = arith.constant 0 : i32
    %dma_wait3A_70 = tpu.memref_slice %arg2[%dma_wait3A_68, %dma_wait3A_69] : memref<8192x32xf32, #tpu.memory_space<hbm>> -> memref<8192x32xf32, #tpu.memory_space<hbm>>
    tpu.wait_indirect_dma semaphore(%arg7 : memref<!tpu.dma_semaphore, #tpu.memory_space<semaphore_mem>>) src(%dma_wait3A_70 : memref<8192x32xf32, #tpu.memory_space<hbm>>) dst(%dma_wait3A_64 : memref<128x32xf32, #tpu.memory_space<vmem>>)
    %dma_wait3A_71 = arith.constant 3 : i32
    %dma_wait3A_72 = arith.constant 384 : i32
    %dma_wait3A_73 = arith.constant 0 : i32
    %dma_wait3A_74 = tpu.memref_slice %arg6[%dma_wait3A_72, %dma_wait3A_73] : memref<512x32xf32, #tpu.memory_space<vmem>> -> memref<128x32xf32, #tpu.memory_space<vmem>>
    %dma_wait3A_75 = arith.constant 0 : i32
    %dma_wait3A_76 = tpu.memref_slice %arg5[%dma_wait3A_71, %dma_wait3A_75] : memref<4x128xi32, #tpu.memory_space<vmem>> -> memref<1x128xi32, #tpu.memory_space<vmem>>
    %dma_wait3A_77 = tpu.memref_squeeze %dma_wait3A_76 : memref<1x128xi32, #tpu.memory_space<vmem>> -> memref<128xi32, #tpu.memory_space<vmem>>
    %dma_wait3A_78 = arith.constant 0 : i32
    %dma_wait3A_79 = arith.constant 0 : i32
    %dma_wait3A_80 = tpu.memref_slice %arg2[%dma_wait3A_78, %dma_wait3A_79] : memref<8192x32xf32, #tpu.memory_space<hbm>> -> memref<8192x32xf32, #tpu.memory_space<hbm>>
    tpu.wait_indirect_dma semaphore(%arg7 : memref<!tpu.dma_semaphore, #tpu.memory_space<semaphore_mem>>) src(%dma_wait3A_80 : memref<8192x32xf32, #tpu.memory_space<hbm>>) dst(%dma_wait3A_74 : memref<128x32xf32, #tpu.memory_space<vmem>>)
    %mul3A_81 = arith.constant 512 : i32
    %mul3A_82 = arith.muli %add3A, %mul3A_81 : i32
    "tpu.region"() ({
      %run_scoped3A = tpu.sem_alloc : memref<!tpu.dma_semaphore, #tpu.memory_space<semaphore_mem>>
      %dma_start3A_83 = arith.constant 0 : i32
      %dma_start3A_84 = tpu.memref_slice %arg4[%mul3A_82, %dma_start3A_83] : memref<16384x32xf32, #tpu.memory_space<hbm>> -> memref<512x32xf32, #tpu.memory_space<hbm>>
      %dma_start3A_85 = arith.constant 0 : i32
      %dma_start3A_86 = tpu.memref_slice %arg4[%mul3A_82, %dma_start3A_85] : memref<16384x32xf32, #tpu.memory_space<hbm>> -> memref<512x32xf32, #tpu.memory_space<hbm>>
      tpu.enqueue_dma source(%arg6 : memref<512x32xf32, #tpu.memory_space<vmem>>) target(%dma_start3A_86 : memref<512x32xf32, #tpu.memory_space<hbm>>) target_semaphore(%run_scoped3A : memref<!tpu.dma_semaphore, #tpu.memory_space<semaphore_mem>>)
      %dma_wait3A_87 = arith.constant 0 : i32
      %dma_wait3A_88 = tpu.memref_slice %arg4[%mul3A_82, %dma_wait3A_87] : memref<16384x32xf32, #tpu.memory_space<hbm>> -> memref<512x32xf32, #tpu.memory_space<hbm>>
      %dma_wait3A_89 = arith.constant 0 : i32
      %dma_wait3A_90 = tpu.memref_slice %arg4[%mul3A_82, %dma_wait3A_89] : memref<16384x32xf32, #tpu.memory_space<hbm>> -> memref<512x32xf32, #tpu.memory_space<hbm>>
      tpu.wait_dma2 semaphore(%run_scoped3A : memref<!tpu.dma_semaphore, #tpu.memory_space<semaphore_mem>>) src(%arg6 : memref<512x32xf32, #tpu.memory_space<vmem>>) dst(%dma_wait3A_90 : memref<512x32xf32, #tpu.memory_space<hbm>>)
      tpu.yield
    }) : () -> ()
    return
  }
}

module attributes {stable_mosaic.version = 14 : i64} {
  func.func @_assign_body(%arg0: i32, %arg1: memref<512x1xf32, #tpu.memory_space<vmem>>, %arg2: memref<1x8192xf32, #tpu.memory_space<vmem>>, %arg3: memref<1x32x512xf32, #tpu.memory_space<vmem>>, %arg4: memref<8192x32xbf16, #tpu.memory_space<vmem>>, %arg5: memref<512x1xi32, #tpu.memory_space<vmem>>, %arg6: memref<1x1xf32, #tpu.memory_space<vmem>>) attributes {dimension_semantics = [#tpu.dimension_semantics<arbitrary>], iteration_bounds = array<i64: 32>, scalar_prefetch = 0 : i64, scratch_operands = 0 : i64, tpu.core_type = #tpu.core_type<tc>, window_params = [{transform_indices = @transform_0, window_bounds = array<i64: 512, 1>}, {pipeline_mode = #tpu.pipeline_mode<synchronous>, transform_indices = @transform_1, window_bounds = array<i64: 1, 8192>}, {transform_indices = @transform_2, window_bounds = array<i64: 1, 32, 512>}, {pipeline_mode = #tpu.pipeline_mode<synchronous>, transform_indices = @transform_3, window_bounds = array<i64: 8192, 32>}, {transform_indices = @transform_4, window_bounds = array<i64: 512, 1>}, {pipeline_mode = #tpu.pipeline_mode<synchronous>, transform_indices = @transform_5, window_bounds = array<i64: 1, 1>}]} {
    %get3A = arith.constant 0 : index
    %get3A_0 = arith.constant 0 : index
    %get3A_1 = arith.constant 0 : index
    %get3A_2 = vector.load %arg3[%get3A, %get3A_0, %get3A_1] : memref<1x32x512xf32, #tpu.memory_space<vmem>>, vector<1x32x512xf32>
    %get3A_3 = vector.shape_cast %get3A_2 : vector<1x32x512xf32> to vector<32x512xf32>
    %convert_element_type3A = arith.truncf %get3A_3 : vector<32x512xf32> to vector<32x512xbf16>
    %get3A_4 = arith.constant 0 : index
    %get3A_5 = arith.constant 0 : index
    %get3A_6 = vector.load %arg1[%get3A_4, %get3A_5] : memref<512x1xf32, #tpu.memory_space<vmem>>, vector<512x1xf32>
    %iota3A = tpu.iota {dimensions = array<i32: 1>} : vector<512x128xi32>
    %convert_element_type3A_7 = arith.sitofp %iota3A : vector<512x128xi32> to vector<512x128xf32>
    %broadcast_in_dim3A = arith.constant 0x7F800000 : f32
    %broadcast_in_dim3A_8 = vector.broadcast %broadcast_in_dim3A : f32 to vector<512x128xf32>
    %broadcast_in_dim3A_9 = arith.constant 0.000000e+00 : f32
    %broadcast_in_dim3A_10 = vector.broadcast %broadcast_in_dim3A_9 : f32 to vector<512x128xf32>
    %get3A_11 = arith.constant 0 : index
    %get3A_12 = arith.constant 0 : index
    %get3A_13 = vector.load %arg4[%get3A_11, %get3A_12] : memref<8192x32xbf16, #tpu.memory_space<vmem>>, vector<1024x32xbf16>
    %dot_general3A = arith.constant dense<0.000000e+00> : vector<512x1024xf32>
    %dot_general3A_14 = tpu.matmul %convert_element_type3A, %get3A_13, %dot_general3A {dimension_numbers = #tpu.dot_dimension_numbers<[0], [1], [1], [0], [0, 1, 1, 0], [], []>, transpose_lhs_hint = false} : vector<32x512xbf16>, vector<1024x32xbf16>, vector<512x1024xf32> -> vector<512x1024xf32>
    %get3A_15 = arith.constant 0 : index
    %get3A_16 = arith.constant 0 : index
    %get3A_17 = vector.load %arg2[%get3A_15, %get3A_16] : memref<1x8192xf32, #tpu.memory_space<vmem>>, vector<1x128xf32>
    %add3A = vector.broadcast %get3A_6 : vector<512x1xf32> to vector<512x128xf32>
    %add3A_18 = vector.broadcast %get3A_17 : vector<1x128xf32> to vector<512x128xf32>
    %add3A_19 = arith.addf %add3A, %add3A_18 : vector<512x128xf32>
    %slice3A = vector.extract_strided_slice %dot_general3A_14 {offsets = [0, 0], sizes = [512, 128], strides = [1, 1]} : vector<512x1024xf32> to vector<512x128xf32>
    %add3A_20 = arith.addf %add3A_19, %slice3A : vector<512x128xf32>
    %lt3A = arith.cmpf olt, %add3A_20, %broadcast_in_dim3A_8 : vector<512x128xf32>
    %min3A = arith.minimumf %broadcast_in_dim3A_8, %add3A_20 : vector<512x128xf32>
    %jit3A = arith.constant 0.000000e+00 : f32
    %broadcast_in_dim3A_21 = vector.broadcast %jit3A : f32 to vector<512x128xf32>
    %select_n3A = arith.select %lt3A, %broadcast_in_dim3A_21, %broadcast_in_dim3A_10 : vector<512x128xi1>, vector<512x128xf32>
    %get3A_22 = arith.constant 0 : index
    %get3A_23 = arith.constant 128 : index
    %get3A_24 = vector.load %arg2[%get3A_22, %get3A_23] : memref<1x8192xf32, #tpu.memory_space<vmem>>, vector<1x128xf32>
    %add3A_25 = vector.broadcast %get3A_6 : vector<512x1xf32> to vector<512x128xf32>
    %add3A_26 = vector.broadcast %get3A_24 : vector<1x128xf32> to vector<512x128xf32>
    %add3A_27 = arith.addf %add3A_25, %add3A_26 : vector<512x128xf32>
    %slice3A_28 = vector.extract_strided_slice %dot_general3A_14 {offsets = [0, 128], sizes = [512, 128], strides = [1, 1]} : vector<512x1024xf32> to vector<512x128xf32>
    %add3A_29 = arith.addf %add3A_27, %slice3A_28 : vector<512x128xf32>
    %lt3A_30 = arith.cmpf olt, %add3A_29, %min3A : vector<512x128xf32>
    %min3A_31 = arith.minimumf %min3A, %add3A_29 : vector<512x128xf32>
    %jit3A_32 = arith.constant 1.000000e+00 : f32
    %broadcast_in_dim3A_33 = vector.broadcast %jit3A_32 : f32 to vector<512x128xf32>
    %select_n3A_34 = arith.select %lt3A_30, %broadcast_in_dim3A_33, %select_n3A : vector<512x128xi1>, vector<512x128xf32>
    %get3A_35 = arith.constant 0 : index
    %get3A_36 = arith.constant 256 : index
    %get3A_37 = vector.load %arg2[%get3A_35, %get3A_36] : memref<1x8192xf32, #tpu.memory_space<vmem>>, vector<1x128xf32>
    %add3A_38 = vector.broadcast %get3A_6 : vector<512x1xf32> to vector<512x128xf32>
    %add3A_39 = vector.broadcast %get3A_37 : vector<1x128xf32> to vector<512x128xf32>
    %add3A_40 = arith.addf %add3A_38, %add3A_39 : vector<512x128xf32>
    %slice3A_41 = vector.extract_strided_slice %dot_general3A_14 {offsets = [0, 256], sizes = [512, 128], strides = [1, 1]} : vector<512x1024xf32> to vector<512x128xf32>
    %add3A_42 = arith.addf %add3A_40, %slice3A_41 : vector<512x128xf32>
    %lt3A_43 = arith.cmpf olt, %add3A_42, %min3A_31 : vector<512x128xf32>
    %min3A_44 = arith.minimumf %min3A_31, %add3A_42 : vector<512x128xf32>
    %jit3A_45 = arith.constant 2.000000e+00 : f32
    %broadcast_in_dim3A_46 = vector.broadcast %jit3A_45 : f32 to vector<512x128xf32>
    %select_n3A_47 = arith.select %lt3A_43, %broadcast_in_dim3A_46, %select_n3A_34 : vector<512x128xi1>, vector<512x128xf32>
    %get3A_48 = arith.constant 0 : index
    %get3A_49 = arith.constant 384 : index
    %get3A_50 = vector.load %arg2[%get3A_48, %get3A_49] : memref<1x8192xf32, #tpu.memory_space<vmem>>, vector<1x128xf32>
    %add3A_51 = vector.broadcast %get3A_6 : vector<512x1xf32> to vector<512x128xf32>
    %add3A_52 = vector.broadcast %get3A_50 : vector<1x128xf32> to vector<512x128xf32>
    %add3A_53 = arith.addf %add3A_51, %add3A_52 : vector<512x128xf32>
    %slice3A_54 = vector.extract_strided_slice %dot_general3A_14 {offsets = [0, 384], sizes = [512, 128], strides = [1, 1]} : vector<512x1024xf32> to vector<512x128xf32>
    %add3A_55 = arith.addf %add3A_53, %slice3A_54 : vector<512x128xf32>
    %lt3A_56 = arith.cmpf olt, %add3A_55, %min3A_44 : vector<512x128xf32>
    %min3A_57 = arith.minimumf %min3A_44, %add3A_55 : vector<512x128xf32>
    %jit3A_58 = arith.constant 3.000000e+00 : f32
    %broadcast_in_dim3A_59 = vector.broadcast %jit3A_58 : f32 to vector<512x128xf32>
    %select_n3A_60 = arith.select %lt3A_56, %broadcast_in_dim3A_59, %select_n3A_47 : vector<512x128xi1>, vector<512x128xf32>
    %get3A_61 = arith.constant 0 : index
    %get3A_62 = arith.constant 512 : index
    %get3A_63 = vector.load %arg2[%get3A_61, %get3A_62] : memref<1x8192xf32, #tpu.memory_space<vmem>>, vector<1x128xf32>
    %add3A_64 = vector.broadcast %get3A_6 : vector<512x1xf32> to vector<512x128xf32>
    %add3A_65 = vector.broadcast %get3A_63 : vector<1x128xf32> to vector<512x128xf32>
    %add3A_66 = arith.addf %add3A_64, %add3A_65 : vector<512x128xf32>
    %slice3A_67 = vector.extract_strided_slice %dot_general3A_14 {offsets = [0, 512], sizes = [512, 128], strides = [1, 1]} : vector<512x1024xf32> to vector<512x128xf32>
    %add3A_68 = arith.addf %add3A_66, %slice3A_67 : vector<512x128xf32>
    %lt3A_69 = arith.cmpf olt, %add3A_68, %min3A_57 : vector<512x128xf32>
    %min3A_70 = arith.minimumf %min3A_57, %add3A_68 : vector<512x128xf32>
    %jit3A_71 = arith.constant 4.000000e+00 : f32
    %broadcast_in_dim3A_72 = vector.broadcast %jit3A_71 : f32 to vector<512x128xf32>
    %select_n3A_73 = arith.select %lt3A_69, %broadcast_in_dim3A_72, %select_n3A_60 : vector<512x128xi1>, vector<512x128xf32>
    %get3A_74 = arith.constant 0 : index
    %get3A_75 = arith.constant 640 : index
    %get3A_76 = vector.load %arg2[%get3A_74, %get3A_75] : memref<1x8192xf32, #tpu.memory_space<vmem>>, vector<1x128xf32>
    %add3A_77 = vector.broadcast %get3A_6 : vector<512x1xf32> to vector<512x128xf32>
    %add3A_78 = vector.broadcast %get3A_76 : vector<1x128xf32> to vector<512x128xf32>
    %add3A_79 = arith.addf %add3A_77, %add3A_78 : vector<512x128xf32>
    %slice3A_80 = vector.extract_strided_slice %dot_general3A_14 {offsets = [0, 640], sizes = [512, 128], strides = [1, 1]} : vector<512x1024xf32> to vector<512x128xf32>
    %add3A_81 = arith.addf %add3A_79, %slice3A_80 : vector<512x128xf32>
    %lt3A_82 = arith.cmpf olt, %add3A_81, %min3A_70 : vector<512x128xf32>
    %min3A_83 = arith.minimumf %min3A_70, %add3A_81 : vector<512x128xf32>
    %jit3A_84 = arith.constant 5.000000e+00 : f32
    %broadcast_in_dim3A_85 = vector.broadcast %jit3A_84 : f32 to vector<512x128xf32>
    %select_n3A_86 = arith.select %lt3A_82, %broadcast_in_dim3A_85, %select_n3A_73 : vector<512x128xi1>, vector<512x128xf32>
    %get3A_87 = arith.constant 0 : index
    %get3A_88 = arith.constant 768 : index
    %get3A_89 = vector.load %arg2[%get3A_87, %get3A_88] : memref<1x8192xf32, #tpu.memory_space<vmem>>, vector<1x128xf32>
    %add3A_90 = vector.broadcast %get3A_6 : vector<512x1xf32> to vector<512x128xf32>
    %add3A_91 = vector.broadcast %get3A_89 : vector<1x128xf32> to vector<512x128xf32>
    %add3A_92 = arith.addf %add3A_90, %add3A_91 : vector<512x128xf32>
    %slice3A_93 = vector.extract_strided_slice %dot_general3A_14 {offsets = [0, 768], sizes = [512, 128], strides = [1, 1]} : vector<512x1024xf32> to vector<512x128xf32>
    %add3A_94 = arith.addf %add3A_92, %slice3A_93 : vector<512x128xf32>
    %lt3A_95 = arith.cmpf olt, %add3A_94, %min3A_83 : vector<512x128xf32>
    %min3A_96 = arith.minimumf %min3A_83, %add3A_94 : vector<512x128xf32>
    %jit3A_97 = arith.constant 6.000000e+00 : f32
    %broadcast_in_dim3A_98 = vector.broadcast %jit3A_97 : f32 to vector<512x128xf32>
    %select_n3A_99 = arith.select %lt3A_95, %broadcast_in_dim3A_98, %select_n3A_86 : vector<512x128xi1>, vector<512x128xf32>
    %get3A_100 = arith.constant 0 : index
    %get3A_101 = arith.constant 896 : index
    %get3A_102 = vector.load %arg2[%get3A_100, %get3A_101] : memref<1x8192xf32, #tpu.memory_space<vmem>>, vector<1x128xf32>
    %add3A_103 = vector.broadcast %get3A_6 : vector<512x1xf32> to vector<512x128xf32>
    %add3A_104 = vector.broadcast %get3A_102 : vector<1x128xf32> to vector<512x128xf32>
    %add3A_105 = arith.addf %add3A_103, %add3A_104 : vector<512x128xf32>
    %slice3A_106 = vector.extract_strided_slice %dot_general3A_14 {offsets = [0, 896], sizes = [512, 128], strides = [1, 1]} : vector<512x1024xf32> to vector<512x128xf32>
    %add3A_107 = arith.addf %add3A_105, %slice3A_106 : vector<512x128xf32>
    %lt3A_108 = arith.cmpf olt, %add3A_107, %min3A_96 : vector<512x128xf32>
    %min3A_109 = arith.minimumf %min3A_96, %add3A_107 : vector<512x128xf32>
    %jit3A_110 = arith.constant 7.000000e+00 : f32
    %broadcast_in_dim3A_111 = vector.broadcast %jit3A_110 : f32 to vector<512x128xf32>
    %select_n3A_112 = arith.select %lt3A_108, %broadcast_in_dim3A_111, %select_n3A_99 : vector<512x128xi1>, vector<512x128xf32>
    %get3A_113 = arith.constant 1024 : index
    %get3A_114 = arith.constant 0 : index
    %get3A_115 = vector.load %arg4[%get3A_113, %get3A_114] : memref<8192x32xbf16, #tpu.memory_space<vmem>>, vector<1024x32xbf16>
    %dot_general3A_116 = arith.constant dense<0.000000e+00> : vector<512x1024xf32>
    %dot_general3A_117 = tpu.matmul %convert_element_type3A, %get3A_115, %dot_general3A_116 {dimension_numbers = #tpu.dot_dimension_numbers<[0], [1], [1], [0], [0, 1, 1, 0], [], []>, transpose_lhs_hint = false} : vector<32x512xbf16>, vector<1024x32xbf16>, vector<512x1024xf32> -> vector<512x1024xf32>
    %get3A_118 = arith.constant 0 : index
    %get3A_119 = arith.constant 1024 : index
    %get3A_120 = vector.load %arg2[%get3A_118, %get3A_119] : memref<1x8192xf32, #tpu.memory_space<vmem>>, vector<1x128xf32>
    %add3A_121 = vector.broadcast %get3A_6 : vector<512x1xf32> to vector<512x128xf32>
    %add3A_122 = vector.broadcast %get3A_120 : vector<1x128xf32> to vector<512x128xf32>
    %add3A_123 = arith.addf %add3A_121, %add3A_122 : vector<512x128xf32>
    %slice3A_124 = vector.extract_strided_slice %dot_general3A_117 {offsets = [0, 0], sizes = [512, 128], strides = [1, 1]} : vector<512x1024xf32> to vector<512x128xf32>
    %add3A_125 = arith.addf %add3A_123, %slice3A_124 : vector<512x128xf32>
    %lt3A_126 = arith.cmpf olt, %add3A_125, %min3A_109 : vector<512x128xf32>
    %min3A_127 = arith.minimumf %min3A_109, %add3A_125 : vector<512x128xf32>
    %jit3A_128 = arith.constant 8.000000e+00 : f32
    %broadcast_in_dim3A_129 = vector.broadcast %jit3A_128 : f32 to vector<512x128xf32>
    %select_n3A_130 = arith.select %lt3A_126, %broadcast_in_dim3A_129, %select_n3A_112 : vector<512x128xi1>, vector<512x128xf32>
    %get3A_131 = arith.constant 0 : index
    %get3A_132 = arith.constant 1152 : index
    %get3A_133 = vector.load %arg2[%get3A_131, %get3A_132] : memref<1x8192xf32, #tpu.memory_space<vmem>>, vector<1x128xf32>
    %add3A_134 = vector.broadcast %get3A_6 : vector<512x1xf32> to vector<512x128xf32>
    %add3A_135 = vector.broadcast %get3A_133 : vector<1x128xf32> to vector<512x128xf32>
    %add3A_136 = arith.addf %add3A_134, %add3A_135 : vector<512x128xf32>
    %slice3A_137 = vector.extract_strided_slice %dot_general3A_117 {offsets = [0, 128], sizes = [512, 128], strides = [1, 1]} : vector<512x1024xf32> to vector<512x128xf32>
    %add3A_138 = arith.addf %add3A_136, %slice3A_137 : vector<512x128xf32>
    %lt3A_139 = arith.cmpf olt, %add3A_138, %min3A_127 : vector<512x128xf32>
    %min3A_140 = arith.minimumf %min3A_127, %add3A_138 : vector<512x128xf32>
    %jit3A_141 = arith.constant 9.000000e+00 : f32
    %broadcast_in_dim3A_142 = vector.broadcast %jit3A_141 : f32 to vector<512x128xf32>
    %select_n3A_143 = arith.select %lt3A_139, %broadcast_in_dim3A_142, %select_n3A_130 : vector<512x128xi1>, vector<512x128xf32>
    %get3A_144 = arith.constant 0 : index
    %get3A_145 = arith.constant 1280 : index
    %get3A_146 = vector.load %arg2[%get3A_144, %get3A_145] : memref<1x8192xf32, #tpu.memory_space<vmem>>, vector<1x128xf32>
    %add3A_147 = vector.broadcast %get3A_6 : vector<512x1xf32> to vector<512x128xf32>
    %add3A_148 = vector.broadcast %get3A_146 : vector<1x128xf32> to vector<512x128xf32>
    %add3A_149 = arith.addf %add3A_147, %add3A_148 : vector<512x128xf32>
    %slice3A_150 = vector.extract_strided_slice %dot_general3A_117 {offsets = [0, 256], sizes = [512, 128], strides = [1, 1]} : vector<512x1024xf32> to vector<512x128xf32>
    %add3A_151 = arith.addf %add3A_149, %slice3A_150 : vector<512x128xf32>
    %lt3A_152 = arith.cmpf olt, %add3A_151, %min3A_140 : vector<512x128xf32>
    %min3A_153 = arith.minimumf %min3A_140, %add3A_151 : vector<512x128xf32>
    %jit3A_154 = arith.constant 1.000000e+01 : f32
    %broadcast_in_dim3A_155 = vector.broadcast %jit3A_154 : f32 to vector<512x128xf32>
    %select_n3A_156 = arith.select %lt3A_152, %broadcast_in_dim3A_155, %select_n3A_143 : vector<512x128xi1>, vector<512x128xf32>
    %get3A_157 = arith.constant 0 : index
    %get3A_158 = arith.constant 1408 : index
    %get3A_159 = vector.load %arg2[%get3A_157, %get3A_158] : memref<1x8192xf32, #tpu.memory_space<vmem>>, vector<1x128xf32>
    %add3A_160 = vector.broadcast %get3A_6 : vector<512x1xf32> to vector<512x128xf32>
    %add3A_161 = vector.broadcast %get3A_159 : vector<1x128xf32> to vector<512x128xf32>
    %add3A_162 = arith.addf %add3A_160, %add3A_161 : vector<512x128xf32>
    %slice3A_163 = vector.extract_strided_slice %dot_general3A_117 {offsets = [0, 384], sizes = [512, 128], strides = [1, 1]} : vector<512x1024xf32> to vector<512x128xf32>
    %add3A_164 = arith.addf %add3A_162, %slice3A_163 : vector<512x128xf32>
    %lt3A_165 = arith.cmpf olt, %add3A_164, %min3A_153 : vector<512x128xf32>
    %min3A_166 = arith.minimumf %min3A_153, %add3A_164 : vector<512x128xf32>
    %jit3A_167 = arith.constant 1.100000e+01 : f32
    %broadcast_in_dim3A_168 = vector.broadcast %jit3A_167 : f32 to vector<512x128xf32>
    %select_n3A_169 = arith.select %lt3A_165, %broadcast_in_dim3A_168, %select_n3A_156 : vector<512x128xi1>, vector<512x128xf32>
    %get3A_170 = arith.constant 0 : index
    %get3A_171 = arith.constant 1536 : index
    %get3A_172 = vector.load %arg2[%get3A_170, %get3A_171] : memref<1x8192xf32, #tpu.memory_space<vmem>>, vector<1x128xf32>
    %add3A_173 = vector.broadcast %get3A_6 : vector<512x1xf32> to vector<512x128xf32>
    %add3A_174 = vector.broadcast %get3A_172 : vector<1x128xf32> to vector<512x128xf32>
    %add3A_175 = arith.addf %add3A_173, %add3A_174 : vector<512x128xf32>
    %slice3A_176 = vector.extract_strided_slice %dot_general3A_117 {offsets = [0, 512], sizes = [512, 128], strides = [1, 1]} : vector<512x1024xf32> to vector<512x128xf32>
    %add3A_177 = arith.addf %add3A_175, %slice3A_176 : vector<512x128xf32>
    %lt3A_178 = arith.cmpf olt, %add3A_177, %min3A_166 : vector<512x128xf32>
    %min3A_179 = arith.minimumf %min3A_166, %add3A_177 : vector<512x128xf32>
    %jit3A_180 = arith.constant 1.200000e+01 : f32
    %broadcast_in_dim3A_181 = vector.broadcast %jit3A_180 : f32 to vector<512x128xf32>
    %select_n3A_182 = arith.select %lt3A_178, %broadcast_in_dim3A_181, %select_n3A_169 : vector<512x128xi1>, vector<512x128xf32>
    %get3A_183 = arith.constant 0 : index
    %get3A_184 = arith.constant 1664 : index
    %get3A_185 = vector.load %arg2[%get3A_183, %get3A_184] : memref<1x8192xf32, #tpu.memory_space<vmem>>, vector<1x128xf32>
    %add3A_186 = vector.broadcast %get3A_6 : vector<512x1xf32> to vector<512x128xf32>
    %add3A_187 = vector.broadcast %get3A_185 : vector<1x128xf32> to vector<512x128xf32>
    %add3A_188 = arith.addf %add3A_186, %add3A_187 : vector<512x128xf32>
    %slice3A_189 = vector.extract_strided_slice %dot_general3A_117 {offsets = [0, 640], sizes = [512, 128], strides = [1, 1]} : vector<512x1024xf32> to vector<512x128xf32>
    %add3A_190 = arith.addf %add3A_188, %slice3A_189 : vector<512x128xf32>
    %lt3A_191 = arith.cmpf olt, %add3A_190, %min3A_179 : vector<512x128xf32>
    %min3A_192 = arith.minimumf %min3A_179, %add3A_190 : vector<512x128xf32>
    %jit3A_193 = arith.constant 1.300000e+01 : f32
    %broadcast_in_dim3A_194 = vector.broadcast %jit3A_193 : f32 to vector<512x128xf32>
    %select_n3A_195 = arith.select %lt3A_191, %broadcast_in_dim3A_194, %select_n3A_182 : vector<512x128xi1>, vector<512x128xf32>
    %get3A_196 = arith.constant 0 : index
    %get3A_197 = arith.constant 1792 : index
    %get3A_198 = vector.load %arg2[%get3A_196, %get3A_197] : memref<1x8192xf32, #tpu.memory_space<vmem>>, vector<1x128xf32>
    %add3A_199 = vector.broadcast %get3A_6 : vector<512x1xf32> to vector<512x128xf32>
    %add3A_200 = vector.broadcast %get3A_198 : vector<1x128xf32> to vector<512x128xf32>
    %add3A_201 = arith.addf %add3A_199, %add3A_200 : vector<512x128xf32>
    %slice3A_202 = vector.extract_strided_slice %dot_general3A_117 {offsets = [0, 768], sizes = [512, 128], strides = [1, 1]} : vector<512x1024xf32> to vector<512x128xf32>
    %add3A_203 = arith.addf %add3A_201, %slice3A_202 : vector<512x128xf32>
    %lt3A_204 = arith.cmpf olt, %add3A_203, %min3A_192 : vector<512x128xf32>
    %min3A_205 = arith.minimumf %min3A_192, %add3A_203 : vector<512x128xf32>
    %jit3A_206 = arith.constant 1.400000e+01 : f32
    %broadcast_in_dim3A_207 = vector.broadcast %jit3A_206 : f32 to vector<512x128xf32>
    %select_n3A_208 = arith.select %lt3A_204, %broadcast_in_dim3A_207, %select_n3A_195 : vector<512x128xi1>, vector<512x128xf32>
    %get3A_209 = arith.constant 0 : index
    %get3A_210 = arith.constant 1920 : index
    %get3A_211 = vector.load %arg2[%get3A_209, %get3A_210] : memref<1x8192xf32, #tpu.memory_space<vmem>>, vector<1x128xf32>
    %add3A_212 = vector.broadcast %get3A_6 : vector<512x1xf32> to vector<512x128xf32>
    %add3A_213 = vector.broadcast %get3A_211 : vector<1x128xf32> to vector<512x128xf32>
    %add3A_214 = arith.addf %add3A_212, %add3A_213 : vector<512x128xf32>
    %slice3A_215 = vector.extract_strided_slice %dot_general3A_117 {offsets = [0, 896], sizes = [512, 128], strides = [1, 1]} : vector<512x1024xf32> to vector<512x128xf32>
    %add3A_216 = arith.addf %add3A_214, %slice3A_215 : vector<512x128xf32>
    %lt3A_217 = arith.cmpf olt, %add3A_216, %min3A_205 : vector<512x128xf32>
    %min3A_218 = arith.minimumf %min3A_205, %add3A_216 : vector<512x128xf32>
    %jit3A_219 = arith.constant 1.500000e+01 : f32
    %broadcast_in_dim3A_220 = vector.broadcast %jit3A_219 : f32 to vector<512x128xf32>
    %select_n3A_221 = arith.select %lt3A_217, %broadcast_in_dim3A_220, %select_n3A_208 : vector<512x128xi1>, vector<512x128xf32>
    %get3A_222 = arith.constant 2048 : index
    %get3A_223 = arith.constant 0 : index
    %get3A_224 = vector.load %arg4[%get3A_222, %get3A_223] : memref<8192x32xbf16, #tpu.memory_space<vmem>>, vector<1024x32xbf16>
    %dot_general3A_225 = arith.constant dense<0.000000e+00> : vector<512x1024xf32>
    %dot_general3A_226 = tpu.matmul %convert_element_type3A, %get3A_224, %dot_general3A_225 {dimension_numbers = #tpu.dot_dimension_numbers<[0], [1], [1], [0], [0, 1, 1, 0], [], []>, transpose_lhs_hint = false} : vector<32x512xbf16>, vector<1024x32xbf16>, vector<512x1024xf32> -> vector<512x1024xf32>
    %get3A_227 = arith.constant 0 : index
    %get3A_228 = arith.constant 2048 : index
    %get3A_229 = vector.load %arg2[%get3A_227, %get3A_228] : memref<1x8192xf32, #tpu.memory_space<vmem>>, vector<1x128xf32>
    %add3A_230 = vector.broadcast %get3A_6 : vector<512x1xf32> to vector<512x128xf32>
    %add3A_231 = vector.broadcast %get3A_229 : vector<1x128xf32> to vector<512x128xf32>
    %add3A_232 = arith.addf %add3A_230, %add3A_231 : vector<512x128xf32>
    %slice3A_233 = vector.extract_strided_slice %dot_general3A_226 {offsets = [0, 0], sizes = [512, 128], strides = [1, 1]} : vector<512x1024xf32> to vector<512x128xf32>
    %add3A_234 = arith.addf %add3A_232, %slice3A_233 : vector<512x128xf32>
    %lt3A_235 = arith.cmpf olt, %add3A_234, %min3A_218 : vector<512x128xf32>
    %min3A_236 = arith.minimumf %min3A_218, %add3A_234 : vector<512x128xf32>
    %jit3A_237 = arith.constant 1.600000e+01 : f32
    %broadcast_in_dim3A_238 = vector.broadcast %jit3A_237 : f32 to vector<512x128xf32>
    %select_n3A_239 = arith.select %lt3A_235, %broadcast_in_dim3A_238, %select_n3A_221 : vector<512x128xi1>, vector<512x128xf32>
    %get3A_240 = arith.constant 0 : index
    %get3A_241 = arith.constant 2176 : index
    %get3A_242 = vector.load %arg2[%get3A_240, %get3A_241] : memref<1x8192xf32, #tpu.memory_space<vmem>>, vector<1x128xf32>
    %add3A_243 = vector.broadcast %get3A_6 : vector<512x1xf32> to vector<512x128xf32>
    %add3A_244 = vector.broadcast %get3A_242 : vector<1x128xf32> to vector<512x128xf32>
    %add3A_245 = arith.addf %add3A_243, %add3A_244 : vector<512x128xf32>
    %slice3A_246 = vector.extract_strided_slice %dot_general3A_226 {offsets = [0, 128], sizes = [512, 128], strides = [1, 1]} : vector<512x1024xf32> to vector<512x128xf32>
    %add3A_247 = arith.addf %add3A_245, %slice3A_246 : vector<512x128xf32>
    %lt3A_248 = arith.cmpf olt, %add3A_247, %min3A_236 : vector<512x128xf32>
    %min3A_249 = arith.minimumf %min3A_236, %add3A_247 : vector<512x128xf32>
    %jit3A_250 = arith.constant 1.700000e+01 : f32
    %broadcast_in_dim3A_251 = vector.broadcast %jit3A_250 : f32 to vector<512x128xf32>
    %select_n3A_252 = arith.select %lt3A_248, %broadcast_in_dim3A_251, %select_n3A_239 : vector<512x128xi1>, vector<512x128xf32>
    %get3A_253 = arith.constant 0 : index
    %get3A_254 = arith.constant 2304 : index
    %get3A_255 = vector.load %arg2[%get3A_253, %get3A_254] : memref<1x8192xf32, #tpu.memory_space<vmem>>, vector<1x128xf32>
    %add3A_256 = vector.broadcast %get3A_6 : vector<512x1xf32> to vector<512x128xf32>
    %add3A_257 = vector.broadcast %get3A_255 : vector<1x128xf32> to vector<512x128xf32>
    %add3A_258 = arith.addf %add3A_256, %add3A_257 : vector<512x128xf32>
    %slice3A_259 = vector.extract_strided_slice %dot_general3A_226 {offsets = [0, 256], sizes = [512, 128], strides = [1, 1]} : vector<512x1024xf32> to vector<512x128xf32>
    %add3A_260 = arith.addf %add3A_258, %slice3A_259 : vector<512x128xf32>
    %lt3A_261 = arith.cmpf olt, %add3A_260, %min3A_249 : vector<512x128xf32>
    %min3A_262 = arith.minimumf %min3A_249, %add3A_260 : vector<512x128xf32>
    %jit3A_263 = arith.constant 1.800000e+01 : f32
    %broadcast_in_dim3A_264 = vector.broadcast %jit3A_263 : f32 to vector<512x128xf32>
    %select_n3A_265 = arith.select %lt3A_261, %broadcast_in_dim3A_264, %select_n3A_252 : vector<512x128xi1>, vector<512x128xf32>
    %get3A_266 = arith.constant 0 : index
    %get3A_267 = arith.constant 2432 : index
    %get3A_268 = vector.load %arg2[%get3A_266, %get3A_267] : memref<1x8192xf32, #tpu.memory_space<vmem>>, vector<1x128xf32>
    %add3A_269 = vector.broadcast %get3A_6 : vector<512x1xf32> to vector<512x128xf32>
    %add3A_270 = vector.broadcast %get3A_268 : vector<1x128xf32> to vector<512x128xf32>
    %add3A_271 = arith.addf %add3A_269, %add3A_270 : vector<512x128xf32>
    %slice3A_272 = vector.extract_strided_slice %dot_general3A_226 {offsets = [0, 384], sizes = [512, 128], strides = [1, 1]} : vector<512x1024xf32> to vector<512x128xf32>
    %add3A_273 = arith.addf %add3A_271, %slice3A_272 : vector<512x128xf32>
    %lt3A_274 = arith.cmpf olt, %add3A_273, %min3A_262 : vector<512x128xf32>
    %min3A_275 = arith.minimumf %min3A_262, %add3A_273 : vector<512x128xf32>
    %jit3A_276 = arith.constant 1.900000e+01 : f32
    %broadcast_in_dim3A_277 = vector.broadcast %jit3A_276 : f32 to vector<512x128xf32>
    %select_n3A_278 = arith.select %lt3A_274, %broadcast_in_dim3A_277, %select_n3A_265 : vector<512x128xi1>, vector<512x128xf32>
    %get3A_279 = arith.constant 0 : index
    %get3A_280 = arith.constant 2560 : index
    %get3A_281 = vector.load %arg2[%get3A_279, %get3A_280] : memref<1x8192xf32, #tpu.memory_space<vmem>>, vector<1x128xf32>
    %add3A_282 = vector.broadcast %get3A_6 : vector<512x1xf32> to vector<512x128xf32>
    %add3A_283 = vector.broadcast %get3A_281 : vector<1x128xf32> to vector<512x128xf32>
    %add3A_284 = arith.addf %add3A_282, %add3A_283 : vector<512x128xf32>
    %slice3A_285 = vector.extract_strided_slice %dot_general3A_226 {offsets = [0, 512], sizes = [512, 128], strides = [1, 1]} : vector<512x1024xf32> to vector<512x128xf32>
    %add3A_286 = arith.addf %add3A_284, %slice3A_285 : vector<512x128xf32>
    %lt3A_287 = arith.cmpf olt, %add3A_286, %min3A_275 : vector<512x128xf32>
    %min3A_288 = arith.minimumf %min3A_275, %add3A_286 : vector<512x128xf32>
    %jit3A_289 = arith.constant 2.000000e+01 : f32
    %broadcast_in_dim3A_290 = vector.broadcast %jit3A_289 : f32 to vector<512x128xf32>
    %select_n3A_291 = arith.select %lt3A_287, %broadcast_in_dim3A_290, %select_n3A_278 : vector<512x128xi1>, vector<512x128xf32>
    %get3A_292 = arith.constant 0 : index
    %get3A_293 = arith.constant 2688 : index
    %get3A_294 = vector.load %arg2[%get3A_292, %get3A_293] : memref<1x8192xf32, #tpu.memory_space<vmem>>, vector<1x128xf32>
    %add3A_295 = vector.broadcast %get3A_6 : vector<512x1xf32> to vector<512x128xf32>
    %add3A_296 = vector.broadcast %get3A_294 : vector<1x128xf32> to vector<512x128xf32>
    %add3A_297 = arith.addf %add3A_295, %add3A_296 : vector<512x128xf32>
    %slice3A_298 = vector.extract_strided_slice %dot_general3A_226 {offsets = [0, 640], sizes = [512, 128], strides = [1, 1]} : vector<512x1024xf32> to vector<512x128xf32>
    %add3A_299 = arith.addf %add3A_297, %slice3A_298 : vector<512x128xf32>
    %lt3A_300 = arith.cmpf olt, %add3A_299, %min3A_288 : vector<512x128xf32>
    %min3A_301 = arith.minimumf %min3A_288, %add3A_299 : vector<512x128xf32>
    %jit3A_302 = arith.constant 2.100000e+01 : f32
    %broadcast_in_dim3A_303 = vector.broadcast %jit3A_302 : f32 to vector<512x128xf32>
    %select_n3A_304 = arith.select %lt3A_300, %broadcast_in_dim3A_303, %select_n3A_291 : vector<512x128xi1>, vector<512x128xf32>
    %get3A_305 = arith.constant 0 : index
    %get3A_306 = arith.constant 2816 : index
    %get3A_307 = vector.load %arg2[%get3A_305, %get3A_306] : memref<1x8192xf32, #tpu.memory_space<vmem>>, vector<1x128xf32>
    %add3A_308 = vector.broadcast %get3A_6 : vector<512x1xf32> to vector<512x128xf32>
    %add3A_309 = vector.broadcast %get3A_307 : vector<1x128xf32> to vector<512x128xf32>
    %add3A_310 = arith.addf %add3A_308, %add3A_309 : vector<512x128xf32>
    %slice3A_311 = vector.extract_strided_slice %dot_general3A_226 {offsets = [0, 768], sizes = [512, 128], strides = [1, 1]} : vector<512x1024xf32> to vector<512x128xf32>
    %add3A_312 = arith.addf %add3A_310, %slice3A_311 : vector<512x128xf32>
    %lt3A_313 = arith.cmpf olt, %add3A_312, %min3A_301 : vector<512x128xf32>
    %min3A_314 = arith.minimumf %min3A_301, %add3A_312 : vector<512x128xf32>
    %jit3A_315 = arith.constant 2.200000e+01 : f32
    %broadcast_in_dim3A_316 = vector.broadcast %jit3A_315 : f32 to vector<512x128xf32>
    %select_n3A_317 = arith.select %lt3A_313, %broadcast_in_dim3A_316, %select_n3A_304 : vector<512x128xi1>, vector<512x128xf32>
    %get3A_318 = arith.constant 0 : index
    %get3A_319 = arith.constant 2944 : index
    %get3A_320 = vector.load %arg2[%get3A_318, %get3A_319] : memref<1x8192xf32, #tpu.memory_space<vmem>>, vector<1x128xf32>
    %add3A_321 = vector.broadcast %get3A_6 : vector<512x1xf32> to vector<512x128xf32>
    %add3A_322 = vector.broadcast %get3A_320 : vector<1x128xf32> to vector<512x128xf32>
    %add3A_323 = arith.addf %add3A_321, %add3A_322 : vector<512x128xf32>
    %slice3A_324 = vector.extract_strided_slice %dot_general3A_226 {offsets = [0, 896], sizes = [512, 128], strides = [1, 1]} : vector<512x1024xf32> to vector<512x128xf32>
    %add3A_325 = arith.addf %add3A_323, %slice3A_324 : vector<512x128xf32>
    %lt3A_326 = arith.cmpf olt, %add3A_325, %min3A_314 : vector<512x128xf32>
    %min3A_327 = arith.minimumf %min3A_314, %add3A_325 : vector<512x128xf32>
    %jit3A_328 = arith.constant 2.300000e+01 : f32
    %broadcast_in_dim3A_329 = vector.broadcast %jit3A_328 : f32 to vector<512x128xf32>
    %select_n3A_330 = arith.select %lt3A_326, %broadcast_in_dim3A_329, %select_n3A_317 : vector<512x128xi1>, vector<512x128xf32>
    %get3A_331 = arith.constant 3072 : index
    %get3A_332 = arith.constant 0 : index
    %get3A_333 = vector.load %arg4[%get3A_331, %get3A_332] : memref<8192x32xbf16, #tpu.memory_space<vmem>>, vector<1024x32xbf16>
    %dot_general3A_334 = arith.constant dense<0.000000e+00> : vector<512x1024xf32>
    %dot_general3A_335 = tpu.matmul %convert_element_type3A, %get3A_333, %dot_general3A_334 {dimension_numbers = #tpu.dot_dimension_numbers<[0], [1], [1], [0], [0, 1, 1, 0], [], []>, transpose_lhs_hint = false} : vector<32x512xbf16>, vector<1024x32xbf16>, vector<512x1024xf32> -> vector<512x1024xf32>
    %get3A_336 = arith.constant 0 : index
    %get3A_337 = arith.constant 3072 : index
    %get3A_338 = vector.load %arg2[%get3A_336, %get3A_337] : memref<1x8192xf32, #tpu.memory_space<vmem>>, vector<1x128xf32>
    %add3A_339 = vector.broadcast %get3A_6 : vector<512x1xf32> to vector<512x128xf32>
    %add3A_340 = vector.broadcast %get3A_338 : vector<1x128xf32> to vector<512x128xf32>
    %add3A_341 = arith.addf %add3A_339, %add3A_340 : vector<512x128xf32>
    %slice3A_342 = vector.extract_strided_slice %dot_general3A_335 {offsets = [0, 0], sizes = [512, 128], strides = [1, 1]} : vector<512x1024xf32> to vector<512x128xf32>
    %add3A_343 = arith.addf %add3A_341, %slice3A_342 : vector<512x128xf32>
    %lt3A_344 = arith.cmpf olt, %add3A_343, %min3A_327 : vector<512x128xf32>
    %min3A_345 = arith.minimumf %min3A_327, %add3A_343 : vector<512x128xf32>
    %jit3A_346 = arith.constant 2.400000e+01 : f32
    %broadcast_in_dim3A_347 = vector.broadcast %jit3A_346 : f32 to vector<512x128xf32>
    %select_n3A_348 = arith.select %lt3A_344, %broadcast_in_dim3A_347, %select_n3A_330 : vector<512x128xi1>, vector<512x128xf32>
    %get3A_349 = arith.constant 0 : index
    %get3A_350 = arith.constant 3200 : index
    %get3A_351 = vector.load %arg2[%get3A_349, %get3A_350] : memref<1x8192xf32, #tpu.memory_space<vmem>>, vector<1x128xf32>
    %add3A_352 = vector.broadcast %get3A_6 : vector<512x1xf32> to vector<512x128xf32>
    %add3A_353 = vector.broadcast %get3A_351 : vector<1x128xf32> to vector<512x128xf32>
    %add3A_354 = arith.addf %add3A_352, %add3A_353 : vector<512x128xf32>
    %slice3A_355 = vector.extract_strided_slice %dot_general3A_335 {offsets = [0, 128], sizes = [512, 128], strides = [1, 1]} : vector<512x1024xf32> to vector<512x128xf32>
    %add3A_356 = arith.addf %add3A_354, %slice3A_355 : vector<512x128xf32>
    %lt3A_357 = arith.cmpf olt, %add3A_356, %min3A_345 : vector<512x128xf32>
    %min3A_358 = arith.minimumf %min3A_345, %add3A_356 : vector<512x128xf32>
    %jit3A_359 = arith.constant 2.500000e+01 : f32
    %broadcast_in_dim3A_360 = vector.broadcast %jit3A_359 : f32 to vector<512x128xf32>
    %select_n3A_361 = arith.select %lt3A_357, %broadcast_in_dim3A_360, %select_n3A_348 : vector<512x128xi1>, vector<512x128xf32>
    %get3A_362 = arith.constant 0 : index
    %get3A_363 = arith.constant 3328 : index
    %get3A_364 = vector.load %arg2[%get3A_362, %get3A_363] : memref<1x8192xf32, #tpu.memory_space<vmem>>, vector<1x128xf32>
    %add3A_365 = vector.broadcast %get3A_6 : vector<512x1xf32> to vector<512x128xf32>
    %add3A_366 = vector.broadcast %get3A_364 : vector<1x128xf32> to vector<512x128xf32>
    %add3A_367 = arith.addf %add3A_365, %add3A_366 : vector<512x128xf32>
    %slice3A_368 = vector.extract_strided_slice %dot_general3A_335 {offsets = [0, 256], sizes = [512, 128], strides = [1, 1]} : vector<512x1024xf32> to vector<512x128xf32>
    %add3A_369 = arith.addf %add3A_367, %slice3A_368 : vector<512x128xf32>
    %lt3A_370 = arith.cmpf olt, %add3A_369, %min3A_358 : vector<512x128xf32>
    %min3A_371 = arith.minimumf %min3A_358, %add3A_369 : vector<512x128xf32>
    %jit3A_372 = arith.constant 2.600000e+01 : f32
    %broadcast_in_dim3A_373 = vector.broadcast %jit3A_372 : f32 to vector<512x128xf32>
    %select_n3A_374 = arith.select %lt3A_370, %broadcast_in_dim3A_373, %select_n3A_361 : vector<512x128xi1>, vector<512x128xf32>
    %get3A_375 = arith.constant 0 : index
    %get3A_376 = arith.constant 3456 : index
    %get3A_377 = vector.load %arg2[%get3A_375, %get3A_376] : memref<1x8192xf32, #tpu.memory_space<vmem>>, vector<1x128xf32>
    %add3A_378 = vector.broadcast %get3A_6 : vector<512x1xf32> to vector<512x128xf32>
    %add3A_379 = vector.broadcast %get3A_377 : vector<1x128xf32> to vector<512x128xf32>
    %add3A_380 = arith.addf %add3A_378, %add3A_379 : vector<512x128xf32>
    %slice3A_381 = vector.extract_strided_slice %dot_general3A_335 {offsets = [0, 384], sizes = [512, 128], strides = [1, 1]} : vector<512x1024xf32> to vector<512x128xf32>
    %add3A_382 = arith.addf %add3A_380, %slice3A_381 : vector<512x128xf32>
    %lt3A_383 = arith.cmpf olt, %add3A_382, %min3A_371 : vector<512x128xf32>
    %min3A_384 = arith.minimumf %min3A_371, %add3A_382 : vector<512x128xf32>
    %jit3A_385 = arith.constant 2.700000e+01 : f32
    %broadcast_in_dim3A_386 = vector.broadcast %jit3A_385 : f32 to vector<512x128xf32>
    %select_n3A_387 = arith.select %lt3A_383, %broadcast_in_dim3A_386, %select_n3A_374 : vector<512x128xi1>, vector<512x128xf32>
    %get3A_388 = arith.constant 0 : index
    %get3A_389 = arith.constant 3584 : index
    %get3A_390 = vector.load %arg2[%get3A_388, %get3A_389] : memref<1x8192xf32, #tpu.memory_space<vmem>>, vector<1x128xf32>
    %add3A_391 = vector.broadcast %get3A_6 : vector<512x1xf32> to vector<512x128xf32>
    %add3A_392 = vector.broadcast %get3A_390 : vector<1x128xf32> to vector<512x128xf32>
    %add3A_393 = arith.addf %add3A_391, %add3A_392 : vector<512x128xf32>
    %slice3A_394 = vector.extract_strided_slice %dot_general3A_335 {offsets = [0, 512], sizes = [512, 128], strides = [1, 1]} : vector<512x1024xf32> to vector<512x128xf32>
    %add3A_395 = arith.addf %add3A_393, %slice3A_394 : vector<512x128xf32>
    %lt3A_396 = arith.cmpf olt, %add3A_395, %min3A_384 : vector<512x128xf32>
    %min3A_397 = arith.minimumf %min3A_384, %add3A_395 : vector<512x128xf32>
    %jit3A_398 = arith.constant 2.800000e+01 : f32
    %broadcast_in_dim3A_399 = vector.broadcast %jit3A_398 : f32 to vector<512x128xf32>
    %select_n3A_400 = arith.select %lt3A_396, %broadcast_in_dim3A_399, %select_n3A_387 : vector<512x128xi1>, vector<512x128xf32>
    %get3A_401 = arith.constant 0 : index
    %get3A_402 = arith.constant 3712 : index
    %get3A_403 = vector.load %arg2[%get3A_401, %get3A_402] : memref<1x8192xf32, #tpu.memory_space<vmem>>, vector<1x128xf32>
    %add3A_404 = vector.broadcast %get3A_6 : vector<512x1xf32> to vector<512x128xf32>
    %add3A_405 = vector.broadcast %get3A_403 : vector<1x128xf32> to vector<512x128xf32>
    %add3A_406 = arith.addf %add3A_404, %add3A_405 : vector<512x128xf32>
    %slice3A_407 = vector.extract_strided_slice %dot_general3A_335 {offsets = [0, 640], sizes = [512, 128], strides = [1, 1]} : vector<512x1024xf32> to vector<512x128xf32>
    %add3A_408 = arith.addf %add3A_406, %slice3A_407 : vector<512x128xf32>
    %lt3A_409 = arith.cmpf olt, %add3A_408, %min3A_397 : vector<512x128xf32>
    %min3A_410 = arith.minimumf %min3A_397, %add3A_408 : vector<512x128xf32>
    %jit3A_411 = arith.constant 2.900000e+01 : f32
    %broadcast_in_dim3A_412 = vector.broadcast %jit3A_411 : f32 to vector<512x128xf32>
    %select_n3A_413 = arith.select %lt3A_409, %broadcast_in_dim3A_412, %select_n3A_400 : vector<512x128xi1>, vector<512x128xf32>
    %get3A_414 = arith.constant 0 : index
    %get3A_415 = arith.constant 3840 : index
    %get3A_416 = vector.load %arg2[%get3A_414, %get3A_415] : memref<1x8192xf32, #tpu.memory_space<vmem>>, vector<1x128xf32>
    %add3A_417 = vector.broadcast %get3A_6 : vector<512x1xf32> to vector<512x128xf32>
    %add3A_418 = vector.broadcast %get3A_416 : vector<1x128xf32> to vector<512x128xf32>
    %add3A_419 = arith.addf %add3A_417, %add3A_418 : vector<512x128xf32>
    %slice3A_420 = vector.extract_strided_slice %dot_general3A_335 {offsets = [0, 768], sizes = [512, 128], strides = [1, 1]} : vector<512x1024xf32> to vector<512x128xf32>
    %add3A_421 = arith.addf %add3A_419, %slice3A_420 : vector<512x128xf32>
    %lt3A_422 = arith.cmpf olt, %add3A_421, %min3A_410 : vector<512x128xf32>
    %min3A_423 = arith.minimumf %min3A_410, %add3A_421 : vector<512x128xf32>
    %jit3A_424 = arith.constant 3.000000e+01 : f32
    %broadcast_in_dim3A_425 = vector.broadcast %jit3A_424 : f32 to vector<512x128xf32>
    %select_n3A_426 = arith.select %lt3A_422, %broadcast_in_dim3A_425, %select_n3A_413 : vector<512x128xi1>, vector<512x128xf32>
    %get3A_427 = arith.constant 0 : index
    %get3A_428 = arith.constant 3968 : index
    %get3A_429 = vector.load %arg2[%get3A_427, %get3A_428] : memref<1x8192xf32, #tpu.memory_space<vmem>>, vector<1x128xf32>
    %add3A_430 = vector.broadcast %get3A_6 : vector<512x1xf32> to vector<512x128xf32>
    %add3A_431 = vector.broadcast %get3A_429 : vector<1x128xf32> to vector<512x128xf32>
    %add3A_432 = arith.addf %add3A_430, %add3A_431 : vector<512x128xf32>
    %slice3A_433 = vector.extract_strided_slice %dot_general3A_335 {offsets = [0, 896], sizes = [512, 128], strides = [1, 1]} : vector<512x1024xf32> to vector<512x128xf32>
    %add3A_434 = arith.addf %add3A_432, %slice3A_433 : vector<512x128xf32>
    %lt3A_435 = arith.cmpf olt, %add3A_434, %min3A_423 : vector<512x128xf32>
    %min3A_436 = arith.minimumf %min3A_423, %add3A_434 : vector<512x128xf32>
    %jit3A_437 = arith.constant 3.100000e+01 : f32
    %broadcast_in_dim3A_438 = vector.broadcast %jit3A_437 : f32 to vector<512x128xf32>
    %select_n3A_439 = arith.select %lt3A_435, %broadcast_in_dim3A_438, %select_n3A_426 : vector<512x128xi1>, vector<512x128xf32>
    %reduce_min3A = arith.constant dense<0x7F800000> : vector<512xf32>
    %reduce_min3A_440 = vector.multi_reduction <minimumf>, %min3A_436, %reduce_min3A [1] : vector<512x128xf32> to vector<512xf32>
    %broadcast_in_dim3A_441 = vector.shape_cast %reduce_min3A_440 : vector<512xf32> to vector<512x1xf32>
    %mul3A = arith.constant 1.280000e+02 : f32
    %mul3A_442 = vector.broadcast %mul3A : f32 to vector<512x128xf32>
    %mul3A_443 = arith.mulf %select_n3A_439, %mul3A_442 : vector<512x128xf32>
    %add3A_444 = arith.addf %mul3A_443, %convert_element_type3A_7 : vector<512x128xf32>
    %eq3A = vector.broadcast %broadcast_in_dim3A_441 : vector<512x1xf32> to vector<512x128xf32>
    %eq3A_445 = arith.cmpf oeq, %min3A_436, %eq3A : vector<512x128xf32>
    %jit3A_446 = arith.constant 8.192000e+03 : f32
    %broadcast_in_dim3A_447 = vector.broadcast %jit3A_446 : f32 to vector<512x128xf32>
    %select_n3A_448 = arith.select %eq3A_445, %add3A_444, %broadcast_in_dim3A_447 : vector<512x128xi1>, vector<512x128xf32>
    %reduce_min3A_449 = arith.constant dense<0x7F800000> : vector<512xf32>
    %reduce_min3A_450 = vector.multi_reduction <minimumf>, %select_n3A_448, %reduce_min3A_449 [1] : vector<512x128xf32> to vector<512xf32>
    %broadcast_in_dim3A_451 = vector.shape_cast %reduce_min3A_450 : vector<512xf32> to vector<512x1xf32>
    %broadcast_in_dim3A_452 = arith.constant 0x7F800000 : f32
    %broadcast_in_dim3A_453 = vector.broadcast %broadcast_in_dim3A_452 : f32 to vector<512x128xf32>
    %broadcast_in_dim3A_454 = arith.constant 0.000000e+00 : f32
    %broadcast_in_dim3A_455 = vector.broadcast %broadcast_in_dim3A_454 : f32 to vector<512x128xf32>
    %get3A_456 = arith.constant 4096 : index
    %get3A_457 = arith.constant 0 : index
    %get3A_458 = vector.load %arg4[%get3A_456, %get3A_457] : memref<8192x32xbf16, #tpu.memory_space<vmem>>, vector<1024x32xbf16>
    %dot_general3A_459 = arith.constant dense<0.000000e+00> : vector<512x1024xf32>
    %dot_general3A_460 = tpu.matmul %convert_element_type3A, %get3A_458, %dot_general3A_459 {dimension_numbers = #tpu.dot_dimension_numbers<[0], [1], [1], [0], [0, 1, 1, 0], [], []>, transpose_lhs_hint = false} : vector<32x512xbf16>, vector<1024x32xbf16>, vector<512x1024xf32> -> vector<512x1024xf32>
    %get3A_461 = arith.constant 0 : index
    %get3A_462 = arith.constant 4096 : index
    %get3A_463 = vector.load %arg2[%get3A_461, %get3A_462] : memref<1x8192xf32, #tpu.memory_space<vmem>>, vector<1x128xf32>
    %add3A_464 = vector.broadcast %get3A_6 : vector<512x1xf32> to vector<512x128xf32>
    %add3A_465 = vector.broadcast %get3A_463 : vector<1x128xf32> to vector<512x128xf32>
    %add3A_466 = arith.addf %add3A_464, %add3A_465 : vector<512x128xf32>
    %slice3A_467 = vector.extract_strided_slice %dot_general3A_460 {offsets = [0, 0], sizes = [512, 128], strides = [1, 1]} : vector<512x1024xf32> to vector<512x128xf32>
    %add3A_468 = arith.addf %add3A_466, %slice3A_467 : vector<512x128xf32>
    %lt3A_469 = arith.cmpf olt, %add3A_468, %broadcast_in_dim3A_453 : vector<512x128xf32>
    %min3A_470 = arith.minimumf %broadcast_in_dim3A_453, %add3A_468 : vector<512x128xf32>
    %jit3A_471 = arith.constant 3.200000e+01 : f32
    %broadcast_in_dim3A_472 = vector.broadcast %jit3A_471 : f32 to vector<512x128xf32>
    %select_n3A_473 = arith.select %lt3A_469, %broadcast_in_dim3A_472, %broadcast_in_dim3A_455 : vector<512x128xi1>, vector<512x128xf32>
    %get3A_474 = arith.constant 0 : index
    %get3A_475 = arith.constant 4224 : index
    %get3A_476 = vector.load %arg2[%get3A_474, %get3A_475] : memref<1x8192xf32, #tpu.memory_space<vmem>>, vector<1x128xf32>
    %add3A_477 = vector.broadcast %get3A_6 : vector<512x1xf32> to vector<512x128xf32>
    %add3A_478 = vector.broadcast %get3A_476 : vector<1x128xf32> to vector<512x128xf32>
    %add3A_479 = arith.addf %add3A_477, %add3A_478 : vector<512x128xf32>
    %slice3A_480 = vector.extract_strided_slice %dot_general3A_460 {offsets = [0, 128], sizes = [512, 128], strides = [1, 1]} : vector<512x1024xf32> to vector<512x128xf32>
    %add3A_481 = arith.addf %add3A_479, %slice3A_480 : vector<512x128xf32>
    %lt3A_482 = arith.cmpf olt, %add3A_481, %min3A_470 : vector<512x128xf32>
    %min3A_483 = arith.minimumf %min3A_470, %add3A_481 : vector<512x128xf32>
    %jit3A_484 = arith.constant 3.300000e+01 : f32
    %broadcast_in_dim3A_485 = vector.broadcast %jit3A_484 : f32 to vector<512x128xf32>
    %select_n3A_486 = arith.select %lt3A_482, %broadcast_in_dim3A_485, %select_n3A_473 : vector<512x128xi1>, vector<512x128xf32>
    %get3A_487 = arith.constant 0 : index
    %get3A_488 = arith.constant 4352 : index
    %get3A_489 = vector.load %arg2[%get3A_487, %get3A_488] : memref<1x8192xf32, #tpu.memory_space<vmem>>, vector<1x128xf32>
    %add3A_490 = vector.broadcast %get3A_6 : vector<512x1xf32> to vector<512x128xf32>
    %add3A_491 = vector.broadcast %get3A_489 : vector<1x128xf32> to vector<512x128xf32>
    %add3A_492 = arith.addf %add3A_490, %add3A_491 : vector<512x128xf32>
    %slice3A_493 = vector.extract_strided_slice %dot_general3A_460 {offsets = [0, 256], sizes = [512, 128], strides = [1, 1]} : vector<512x1024xf32> to vector<512x128xf32>
    %add3A_494 = arith.addf %add3A_492, %slice3A_493 : vector<512x128xf32>
    %lt3A_495 = arith.cmpf olt, %add3A_494, %min3A_483 : vector<512x128xf32>
    %min3A_496 = arith.minimumf %min3A_483, %add3A_494 : vector<512x128xf32>
    %jit3A_497 = arith.constant 3.400000e+01 : f32
    %broadcast_in_dim3A_498 = vector.broadcast %jit3A_497 : f32 to vector<512x128xf32>
    %select_n3A_499 = arith.select %lt3A_495, %broadcast_in_dim3A_498, %select_n3A_486 : vector<512x128xi1>, vector<512x128xf32>
    %get3A_500 = arith.constant 0 : index
    %get3A_501 = arith.constant 4480 : index
    %get3A_502 = vector.load %arg2[%get3A_500, %get3A_501] : memref<1x8192xf32, #tpu.memory_space<vmem>>, vector<1x128xf32>
    %add3A_503 = vector.broadcast %get3A_6 : vector<512x1xf32> to vector<512x128xf32>
    %add3A_504 = vector.broadcast %get3A_502 : vector<1x128xf32> to vector<512x128xf32>
    %add3A_505 = arith.addf %add3A_503, %add3A_504 : vector<512x128xf32>
    %slice3A_506 = vector.extract_strided_slice %dot_general3A_460 {offsets = [0, 384], sizes = [512, 128], strides = [1, 1]} : vector<512x1024xf32> to vector<512x128xf32>
    %add3A_507 = arith.addf %add3A_505, %slice3A_506 : vector<512x128xf32>
    %lt3A_508 = arith.cmpf olt, %add3A_507, %min3A_496 : vector<512x128xf32>
    %min3A_509 = arith.minimumf %min3A_496, %add3A_507 : vector<512x128xf32>
    %jit3A_510 = arith.constant 3.500000e+01 : f32
    %broadcast_in_dim3A_511 = vector.broadcast %jit3A_510 : f32 to vector<512x128xf32>
    %select_n3A_512 = arith.select %lt3A_508, %broadcast_in_dim3A_511, %select_n3A_499 : vector<512x128xi1>, vector<512x128xf32>
    %get3A_513 = arith.constant 0 : index
    %get3A_514 = arith.constant 4608 : index
    %get3A_515 = vector.load %arg2[%get3A_513, %get3A_514] : memref<1x8192xf32, #tpu.memory_space<vmem>>, vector<1x128xf32>
    %add3A_516 = vector.broadcast %get3A_6 : vector<512x1xf32> to vector<512x128xf32>
    %add3A_517 = vector.broadcast %get3A_515 : vector<1x128xf32> to vector<512x128xf32>
    %add3A_518 = arith.addf %add3A_516, %add3A_517 : vector<512x128xf32>
    %slice3A_519 = vector.extract_strided_slice %dot_general3A_460 {offsets = [0, 512], sizes = [512, 128], strides = [1, 1]} : vector<512x1024xf32> to vector<512x128xf32>
    %add3A_520 = arith.addf %add3A_518, %slice3A_519 : vector<512x128xf32>
    %lt3A_521 = arith.cmpf olt, %add3A_520, %min3A_509 : vector<512x128xf32>
    %min3A_522 = arith.minimumf %min3A_509, %add3A_520 : vector<512x128xf32>
    %jit3A_523 = arith.constant 3.600000e+01 : f32
    %broadcast_in_dim3A_524 = vector.broadcast %jit3A_523 : f32 to vector<512x128xf32>
    %select_n3A_525 = arith.select %lt3A_521, %broadcast_in_dim3A_524, %select_n3A_512 : vector<512x128xi1>, vector<512x128xf32>
    %get3A_526 = arith.constant 0 : index
    %get3A_527 = arith.constant 4736 : index
    %get3A_528 = vector.load %arg2[%get3A_526, %get3A_527] : memref<1x8192xf32, #tpu.memory_space<vmem>>, vector<1x128xf32>
    %add3A_529 = vector.broadcast %get3A_6 : vector<512x1xf32> to vector<512x128xf32>
    %add3A_530 = vector.broadcast %get3A_528 : vector<1x128xf32> to vector<512x128xf32>
    %add3A_531 = arith.addf %add3A_529, %add3A_530 : vector<512x128xf32>
    %slice3A_532 = vector.extract_strided_slice %dot_general3A_460 {offsets = [0, 640], sizes = [512, 128], strides = [1, 1]} : vector<512x1024xf32> to vector<512x128xf32>
    %add3A_533 = arith.addf %add3A_531, %slice3A_532 : vector<512x128xf32>
    %lt3A_534 = arith.cmpf olt, %add3A_533, %min3A_522 : vector<512x128xf32>
    %min3A_535 = arith.minimumf %min3A_522, %add3A_533 : vector<512x128xf32>
    %jit3A_536 = arith.constant 3.700000e+01 : f32
    %broadcast_in_dim3A_537 = vector.broadcast %jit3A_536 : f32 to vector<512x128xf32>
    %select_n3A_538 = arith.select %lt3A_534, %broadcast_in_dim3A_537, %select_n3A_525 : vector<512x128xi1>, vector<512x128xf32>
    %get3A_539 = arith.constant 0 : index
    %get3A_540 = arith.constant 4864 : index
    %get3A_541 = vector.load %arg2[%get3A_539, %get3A_540] : memref<1x8192xf32, #tpu.memory_space<vmem>>, vector<1x128xf32>
    %add3A_542 = vector.broadcast %get3A_6 : vector<512x1xf32> to vector<512x128xf32>
    %add3A_543 = vector.broadcast %get3A_541 : vector<1x128xf32> to vector<512x128xf32>
    %add3A_544 = arith.addf %add3A_542, %add3A_543 : vector<512x128xf32>
    %slice3A_545 = vector.extract_strided_slice %dot_general3A_460 {offsets = [0, 768], sizes = [512, 128], strides = [1, 1]} : vector<512x1024xf32> to vector<512x128xf32>
    %add3A_546 = arith.addf %add3A_544, %slice3A_545 : vector<512x128xf32>
    %lt3A_547 = arith.cmpf olt, %add3A_546, %min3A_535 : vector<512x128xf32>
    %min3A_548 = arith.minimumf %min3A_535, %add3A_546 : vector<512x128xf32>
    %jit3A_549 = arith.constant 3.800000e+01 : f32
    %broadcast_in_dim3A_550 = vector.broadcast %jit3A_549 : f32 to vector<512x128xf32>
    %select_n3A_551 = arith.select %lt3A_547, %broadcast_in_dim3A_550, %select_n3A_538 : vector<512x128xi1>, vector<512x128xf32>
    %get3A_552 = arith.constant 0 : index
    %get3A_553 = arith.constant 4992 : index
    %get3A_554 = vector.load %arg2[%get3A_552, %get3A_553] : memref<1x8192xf32, #tpu.memory_space<vmem>>, vector<1x128xf32>
    %add3A_555 = vector.broadcast %get3A_6 : vector<512x1xf32> to vector<512x128xf32>
    %add3A_556 = vector.broadcast %get3A_554 : vector<1x128xf32> to vector<512x128xf32>
    %add3A_557 = arith.addf %add3A_555, %add3A_556 : vector<512x128xf32>
    %slice3A_558 = vector.extract_strided_slice %dot_general3A_460 {offsets = [0, 896], sizes = [512, 128], strides = [1, 1]} : vector<512x1024xf32> to vector<512x128xf32>
    %add3A_559 = arith.addf %add3A_557, %slice3A_558 : vector<512x128xf32>
    %lt3A_560 = arith.cmpf olt, %add3A_559, %min3A_548 : vector<512x128xf32>
    %min3A_561 = arith.minimumf %min3A_548, %add3A_559 : vector<512x128xf32>
    %jit3A_562 = arith.constant 3.900000e+01 : f32
    %broadcast_in_dim3A_563 = vector.broadcast %jit3A_562 : f32 to vector<512x128xf32>
    %select_n3A_564 = arith.select %lt3A_560, %broadcast_in_dim3A_563, %select_n3A_551 : vector<512x128xi1>, vector<512x128xf32>
    %get3A_565 = arith.constant 5120 : index
    %get3A_566 = arith.constant 0 : index
    %get3A_567 = vector.load %arg4[%get3A_565, %get3A_566] : memref<8192x32xbf16, #tpu.memory_space<vmem>>, vector<1024x32xbf16>
    %dot_general3A_568 = arith.constant dense<0.000000e+00> : vector<512x1024xf32>
    %dot_general3A_569 = tpu.matmul %convert_element_type3A, %get3A_567, %dot_general3A_568 {dimension_numbers = #tpu.dot_dimension_numbers<[0], [1], [1], [0], [0, 1, 1, 0], [], []>, transpose_lhs_hint = false} : vector<32x512xbf16>, vector<1024x32xbf16>, vector<512x1024xf32> -> vector<512x1024xf32>
    %get3A_570 = arith.constant 0 : index
    %get3A_571 = arith.constant 5120 : index
    %get3A_572 = vector.load %arg2[%get3A_570, %get3A_571] : memref<1x8192xf32, #tpu.memory_space<vmem>>, vector<1x128xf32>
    %add3A_573 = vector.broadcast %get3A_6 : vector<512x1xf32> to vector<512x128xf32>
    %add3A_574 = vector.broadcast %get3A_572 : vector<1x128xf32> to vector<512x128xf32>
    %add3A_575 = arith.addf %add3A_573, %add3A_574 : vector<512x128xf32>
    %slice3A_576 = vector.extract_strided_slice %dot_general3A_569 {offsets = [0, 0], sizes = [512, 128], strides = [1, 1]} : vector<512x1024xf32> to vector<512x128xf32>
    %add3A_577 = arith.addf %add3A_575, %slice3A_576 : vector<512x128xf32>
    %lt3A_578 = arith.cmpf olt, %add3A_577, %min3A_561 : vector<512x128xf32>
    %min3A_579 = arith.minimumf %min3A_561, %add3A_577 : vector<512x128xf32>
    %jit3A_580 = arith.constant 4.000000e+01 : f32
    %broadcast_in_dim3A_581 = vector.broadcast %jit3A_580 : f32 to vector<512x128xf32>
    %select_n3A_582 = arith.select %lt3A_578, %broadcast_in_dim3A_581, %select_n3A_564 : vector<512x128xi1>, vector<512x128xf32>
    %get3A_583 = arith.constant 0 : index
    %get3A_584 = arith.constant 5248 : index
    %get3A_585 = vector.load %arg2[%get3A_583, %get3A_584] : memref<1x8192xf32, #tpu.memory_space<vmem>>, vector<1x128xf32>
    %add3A_586 = vector.broadcast %get3A_6 : vector<512x1xf32> to vector<512x128xf32>
    %add3A_587 = vector.broadcast %get3A_585 : vector<1x128xf32> to vector<512x128xf32>
    %add3A_588 = arith.addf %add3A_586, %add3A_587 : vector<512x128xf32>
    %slice3A_589 = vector.extract_strided_slice %dot_general3A_569 {offsets = [0, 128], sizes = [512, 128], strides = [1, 1]} : vector<512x1024xf32> to vector<512x128xf32>
    %add3A_590 = arith.addf %add3A_588, %slice3A_589 : vector<512x128xf32>
    %lt3A_591 = arith.cmpf olt, %add3A_590, %min3A_579 : vector<512x128xf32>
    %min3A_592 = arith.minimumf %min3A_579, %add3A_590 : vector<512x128xf32>
    %jit3A_593 = arith.constant 4.100000e+01 : f32
    %broadcast_in_dim3A_594 = vector.broadcast %jit3A_593 : f32 to vector<512x128xf32>
    %select_n3A_595 = arith.select %lt3A_591, %broadcast_in_dim3A_594, %select_n3A_582 : vector<512x128xi1>, vector<512x128xf32>
    %get3A_596 = arith.constant 0 : index
    %get3A_597 = arith.constant 5376 : index
    %get3A_598 = vector.load %arg2[%get3A_596, %get3A_597] : memref<1x8192xf32, #tpu.memory_space<vmem>>, vector<1x128xf32>
    %add3A_599 = vector.broadcast %get3A_6 : vector<512x1xf32> to vector<512x128xf32>
    %add3A_600 = vector.broadcast %get3A_598 : vector<1x128xf32> to vector<512x128xf32>
    %add3A_601 = arith.addf %add3A_599, %add3A_600 : vector<512x128xf32>
    %slice3A_602 = vector.extract_strided_slice %dot_general3A_569 {offsets = [0, 256], sizes = [512, 128], strides = [1, 1]} : vector<512x1024xf32> to vector<512x128xf32>
    %add3A_603 = arith.addf %add3A_601, %slice3A_602 : vector<512x128xf32>
    %lt3A_604 = arith.cmpf olt, %add3A_603, %min3A_592 : vector<512x128xf32>
    %min3A_605 = arith.minimumf %min3A_592, %add3A_603 : vector<512x128xf32>
    %jit3A_606 = arith.constant 4.200000e+01 : f32
    %broadcast_in_dim3A_607 = vector.broadcast %jit3A_606 : f32 to vector<512x128xf32>
    %select_n3A_608 = arith.select %lt3A_604, %broadcast_in_dim3A_607, %select_n3A_595 : vector<512x128xi1>, vector<512x128xf32>
    %get3A_609 = arith.constant 0 : index
    %get3A_610 = arith.constant 5504 : index
    %get3A_611 = vector.load %arg2[%get3A_609, %get3A_610] : memref<1x8192xf32, #tpu.memory_space<vmem>>, vector<1x128xf32>
    %add3A_612 = vector.broadcast %get3A_6 : vector<512x1xf32> to vector<512x128xf32>
    %add3A_613 = vector.broadcast %get3A_611 : vector<1x128xf32> to vector<512x128xf32>
    %add3A_614 = arith.addf %add3A_612, %add3A_613 : vector<512x128xf32>
    %slice3A_615 = vector.extract_strided_slice %dot_general3A_569 {offsets = [0, 384], sizes = [512, 128], strides = [1, 1]} : vector<512x1024xf32> to vector<512x128xf32>
    %add3A_616 = arith.addf %add3A_614, %slice3A_615 : vector<512x128xf32>
    %lt3A_617 = arith.cmpf olt, %add3A_616, %min3A_605 : vector<512x128xf32>
    %min3A_618 = arith.minimumf %min3A_605, %add3A_616 : vector<512x128xf32>
    %jit3A_619 = arith.constant 4.300000e+01 : f32
    %broadcast_in_dim3A_620 = vector.broadcast %jit3A_619 : f32 to vector<512x128xf32>
    %select_n3A_621 = arith.select %lt3A_617, %broadcast_in_dim3A_620, %select_n3A_608 : vector<512x128xi1>, vector<512x128xf32>
    %get3A_622 = arith.constant 0 : index
    %get3A_623 = arith.constant 5632 : index
    %get3A_624 = vector.load %arg2[%get3A_622, %get3A_623] : memref<1x8192xf32, #tpu.memory_space<vmem>>, vector<1x128xf32>
    %add3A_625 = vector.broadcast %get3A_6 : vector<512x1xf32> to vector<512x128xf32>
    %add3A_626 = vector.broadcast %get3A_624 : vector<1x128xf32> to vector<512x128xf32>
    %add3A_627 = arith.addf %add3A_625, %add3A_626 : vector<512x128xf32>
    %slice3A_628 = vector.extract_strided_slice %dot_general3A_569 {offsets = [0, 512], sizes = [512, 128], strides = [1, 1]} : vector<512x1024xf32> to vector<512x128xf32>
    %add3A_629 = arith.addf %add3A_627, %slice3A_628 : vector<512x128xf32>
    %lt3A_630 = arith.cmpf olt, %add3A_629, %min3A_618 : vector<512x128xf32>
    %min3A_631 = arith.minimumf %min3A_618, %add3A_629 : vector<512x128xf32>
    %jit3A_632 = arith.constant 4.400000e+01 : f32
    %broadcast_in_dim3A_633 = vector.broadcast %jit3A_632 : f32 to vector<512x128xf32>
    %select_n3A_634 = arith.select %lt3A_630, %broadcast_in_dim3A_633, %select_n3A_621 : vector<512x128xi1>, vector<512x128xf32>
    %get3A_635 = arith.constant 0 : index
    %get3A_636 = arith.constant 5760 : index
    %get3A_637 = vector.load %arg2[%get3A_635, %get3A_636] : memref<1x8192xf32, #tpu.memory_space<vmem>>, vector<1x128xf32>
    %add3A_638 = vector.broadcast %get3A_6 : vector<512x1xf32> to vector<512x128xf32>
    %add3A_639 = vector.broadcast %get3A_637 : vector<1x128xf32> to vector<512x128xf32>
    %add3A_640 = arith.addf %add3A_638, %add3A_639 : vector<512x128xf32>
    %slice3A_641 = vector.extract_strided_slice %dot_general3A_569 {offsets = [0, 640], sizes = [512, 128], strides = [1, 1]} : vector<512x1024xf32> to vector<512x128xf32>
    %add3A_642 = arith.addf %add3A_640, %slice3A_641 : vector<512x128xf32>
    %lt3A_643 = arith.cmpf olt, %add3A_642, %min3A_631 : vector<512x128xf32>
    %min3A_644 = arith.minimumf %min3A_631, %add3A_642 : vector<512x128xf32>
    %jit3A_645 = arith.constant 4.500000e+01 : f32
    %broadcast_in_dim3A_646 = vector.broadcast %jit3A_645 : f32 to vector<512x128xf32>
    %select_n3A_647 = arith.select %lt3A_643, %broadcast_in_dim3A_646, %select_n3A_634 : vector<512x128xi1>, vector<512x128xf32>
    %get3A_648 = arith.constant 0 : index
    %get3A_649 = arith.constant 5888 : index
    %get3A_650 = vector.load %arg2[%get3A_648, %get3A_649] : memref<1x8192xf32, #tpu.memory_space<vmem>>, vector<1x128xf32>
    %add3A_651 = vector.broadcast %get3A_6 : vector<512x1xf32> to vector<512x128xf32>
    %add3A_652 = vector.broadcast %get3A_650 : vector<1x128xf32> to vector<512x128xf32>
    %add3A_653 = arith.addf %add3A_651, %add3A_652 : vector<512x128xf32>
    %slice3A_654 = vector.extract_strided_slice %dot_general3A_569 {offsets = [0, 768], sizes = [512, 128], strides = [1, 1]} : vector<512x1024xf32> to vector<512x128xf32>
    %add3A_655 = arith.addf %add3A_653, %slice3A_654 : vector<512x128xf32>
    %lt3A_656 = arith.cmpf olt, %add3A_655, %min3A_644 : vector<512x128xf32>
    %min3A_657 = arith.minimumf %min3A_644, %add3A_655 : vector<512x128xf32>
    %jit3A_658 = arith.constant 4.600000e+01 : f32
    %broadcast_in_dim3A_659 = vector.broadcast %jit3A_658 : f32 to vector<512x128xf32>
    %select_n3A_660 = arith.select %lt3A_656, %broadcast_in_dim3A_659, %select_n3A_647 : vector<512x128xi1>, vector<512x128xf32>
    %get3A_661 = arith.constant 0 : index
    %get3A_662 = arith.constant 6016 : index
    %get3A_663 = vector.load %arg2[%get3A_661, %get3A_662] : memref<1x8192xf32, #tpu.memory_space<vmem>>, vector<1x128xf32>
    %add3A_664 = vector.broadcast %get3A_6 : vector<512x1xf32> to vector<512x128xf32>
    %add3A_665 = vector.broadcast %get3A_663 : vector<1x128xf32> to vector<512x128xf32>
    %add3A_666 = arith.addf %add3A_664, %add3A_665 : vector<512x128xf32>
    %slice3A_667 = vector.extract_strided_slice %dot_general3A_569 {offsets = [0, 896], sizes = [512, 128], strides = [1, 1]} : vector<512x1024xf32> to vector<512x128xf32>
    %add3A_668 = arith.addf %add3A_666, %slice3A_667 : vector<512x128xf32>
    %lt3A_669 = arith.cmpf olt, %add3A_668, %min3A_657 : vector<512x128xf32>
    %min3A_670 = arith.minimumf %min3A_657, %add3A_668 : vector<512x128xf32>
    %jit3A_671 = arith.constant 4.700000e+01 : f32
    %broadcast_in_dim3A_672 = vector.broadcast %jit3A_671 : f32 to vector<512x128xf32>
    %select_n3A_673 = arith.select %lt3A_669, %broadcast_in_dim3A_672, %select_n3A_660 : vector<512x128xi1>, vector<512x128xf32>
    %get3A_674 = arith.constant 6144 : index
    %get3A_675 = arith.constant 0 : index
    %get3A_676 = vector.load %arg4[%get3A_674, %get3A_675] : memref<8192x32xbf16, #tpu.memory_space<vmem>>, vector<1024x32xbf16>
    %dot_general3A_677 = arith.constant dense<0.000000e+00> : vector<512x1024xf32>
    %dot_general3A_678 = tpu.matmul %convert_element_type3A, %get3A_676, %dot_general3A_677 {dimension_numbers = #tpu.dot_dimension_numbers<[0], [1], [1], [0], [0, 1, 1, 0], [], []>, transpose_lhs_hint = false} : vector<32x512xbf16>, vector<1024x32xbf16>, vector<512x1024xf32> -> vector<512x1024xf32>
    %get3A_679 = arith.constant 0 : index
    %get3A_680 = arith.constant 6144 : index
    %get3A_681 = vector.load %arg2[%get3A_679, %get3A_680] : memref<1x8192xf32, #tpu.memory_space<vmem>>, vector<1x128xf32>
    %add3A_682 = vector.broadcast %get3A_6 : vector<512x1xf32> to vector<512x128xf32>
    %add3A_683 = vector.broadcast %get3A_681 : vector<1x128xf32> to vector<512x128xf32>
    %add3A_684 = arith.addf %add3A_682, %add3A_683 : vector<512x128xf32>
    %slice3A_685 = vector.extract_strided_slice %dot_general3A_678 {offsets = [0, 0], sizes = [512, 128], strides = [1, 1]} : vector<512x1024xf32> to vector<512x128xf32>
    %add3A_686 = arith.addf %add3A_684, %slice3A_685 : vector<512x128xf32>
    %lt3A_687 = arith.cmpf olt, %add3A_686, %min3A_670 : vector<512x128xf32>
    %min3A_688 = arith.minimumf %min3A_670, %add3A_686 : vector<512x128xf32>
    %jit3A_689 = arith.constant 4.800000e+01 : f32
    %broadcast_in_dim3A_690 = vector.broadcast %jit3A_689 : f32 to vector<512x128xf32>
    %select_n3A_691 = arith.select %lt3A_687, %broadcast_in_dim3A_690, %select_n3A_673 : vector<512x128xi1>, vector<512x128xf32>
    %get3A_692 = arith.constant 0 : index
    %get3A_693 = arith.constant 6272 : index
    %get3A_694 = vector.load %arg2[%get3A_692, %get3A_693] : memref<1x8192xf32, #tpu.memory_space<vmem>>, vector<1x128xf32>
    %add3A_695 = vector.broadcast %get3A_6 : vector<512x1xf32> to vector<512x128xf32>
    %add3A_696 = vector.broadcast %get3A_694 : vector<1x128xf32> to vector<512x128xf32>
    %add3A_697 = arith.addf %add3A_695, %add3A_696 : vector<512x128xf32>
    %slice3A_698 = vector.extract_strided_slice %dot_general3A_678 {offsets = [0, 128], sizes = [512, 128], strides = [1, 1]} : vector<512x1024xf32> to vector<512x128xf32>
    %add3A_699 = arith.addf %add3A_697, %slice3A_698 : vector<512x128xf32>
    %lt3A_700 = arith.cmpf olt, %add3A_699, %min3A_688 : vector<512x128xf32>
    %min3A_701 = arith.minimumf %min3A_688, %add3A_699 : vector<512x128xf32>
    %jit3A_702 = arith.constant 4.900000e+01 : f32
    %broadcast_in_dim3A_703 = vector.broadcast %jit3A_702 : f32 to vector<512x128xf32>
    %select_n3A_704 = arith.select %lt3A_700, %broadcast_in_dim3A_703, %select_n3A_691 : vector<512x128xi1>, vector<512x128xf32>
    %get3A_705 = arith.constant 0 : index
    %get3A_706 = arith.constant 6400 : index
    %get3A_707 = vector.load %arg2[%get3A_705, %get3A_706] : memref<1x8192xf32, #tpu.memory_space<vmem>>, vector<1x128xf32>
    %add3A_708 = vector.broadcast %get3A_6 : vector<512x1xf32> to vector<512x128xf32>
    %add3A_709 = vector.broadcast %get3A_707 : vector<1x128xf32> to vector<512x128xf32>
    %add3A_710 = arith.addf %add3A_708, %add3A_709 : vector<512x128xf32>
    %slice3A_711 = vector.extract_strided_slice %dot_general3A_678 {offsets = [0, 256], sizes = [512, 128], strides = [1, 1]} : vector<512x1024xf32> to vector<512x128xf32>
    %add3A_712 = arith.addf %add3A_710, %slice3A_711 : vector<512x128xf32>
    %lt3A_713 = arith.cmpf olt, %add3A_712, %min3A_701 : vector<512x128xf32>
    %min3A_714 = arith.minimumf %min3A_701, %add3A_712 : vector<512x128xf32>
    %jit3A_715 = arith.constant 5.000000e+01 : f32
    %broadcast_in_dim3A_716 = vector.broadcast %jit3A_715 : f32 to vector<512x128xf32>
    %select_n3A_717 = arith.select %lt3A_713, %broadcast_in_dim3A_716, %select_n3A_704 : vector<512x128xi1>, vector<512x128xf32>
    %get3A_718 = arith.constant 0 : index
    %get3A_719 = arith.constant 6528 : index
    %get3A_720 = vector.load %arg2[%get3A_718, %get3A_719] : memref<1x8192xf32, #tpu.memory_space<vmem>>, vector<1x128xf32>
    %add3A_721 = vector.broadcast %get3A_6 : vector<512x1xf32> to vector<512x128xf32>
    %add3A_722 = vector.broadcast %get3A_720 : vector<1x128xf32> to vector<512x128xf32>
    %add3A_723 = arith.addf %add3A_721, %add3A_722 : vector<512x128xf32>
    %slice3A_724 = vector.extract_strided_slice %dot_general3A_678 {offsets = [0, 384], sizes = [512, 128], strides = [1, 1]} : vector<512x1024xf32> to vector<512x128xf32>
    %add3A_725 = arith.addf %add3A_723, %slice3A_724 : vector<512x128xf32>
    %lt3A_726 = arith.cmpf olt, %add3A_725, %min3A_714 : vector<512x128xf32>
    %min3A_727 = arith.minimumf %min3A_714, %add3A_725 : vector<512x128xf32>
    %jit3A_728 = arith.constant 5.100000e+01 : f32
    %broadcast_in_dim3A_729 = vector.broadcast %jit3A_728 : f32 to vector<512x128xf32>
    %select_n3A_730 = arith.select %lt3A_726, %broadcast_in_dim3A_729, %select_n3A_717 : vector<512x128xi1>, vector<512x128xf32>
    %get3A_731 = arith.constant 0 : index
    %get3A_732 = arith.constant 6656 : index
    %get3A_733 = vector.load %arg2[%get3A_731, %get3A_732] : memref<1x8192xf32, #tpu.memory_space<vmem>>, vector<1x128xf32>
    %add3A_734 = vector.broadcast %get3A_6 : vector<512x1xf32> to vector<512x128xf32>
    %add3A_735 = vector.broadcast %get3A_733 : vector<1x128xf32> to vector<512x128xf32>
    %add3A_736 = arith.addf %add3A_734, %add3A_735 : vector<512x128xf32>
    %slice3A_737 = vector.extract_strided_slice %dot_general3A_678 {offsets = [0, 512], sizes = [512, 128], strides = [1, 1]} : vector<512x1024xf32> to vector<512x128xf32>
    %add3A_738 = arith.addf %add3A_736, %slice3A_737 : vector<512x128xf32>
    %lt3A_739 = arith.cmpf olt, %add3A_738, %min3A_727 : vector<512x128xf32>
    %min3A_740 = arith.minimumf %min3A_727, %add3A_738 : vector<512x128xf32>
    %jit3A_741 = arith.constant 5.200000e+01 : f32
    %broadcast_in_dim3A_742 = vector.broadcast %jit3A_741 : f32 to vector<512x128xf32>
    %select_n3A_743 = arith.select %lt3A_739, %broadcast_in_dim3A_742, %select_n3A_730 : vector<512x128xi1>, vector<512x128xf32>
    %get3A_744 = arith.constant 0 : index
    %get3A_745 = arith.constant 6784 : index
    %get3A_746 = vector.load %arg2[%get3A_744, %get3A_745] : memref<1x8192xf32, #tpu.memory_space<vmem>>, vector<1x128xf32>
    %add3A_747 = vector.broadcast %get3A_6 : vector<512x1xf32> to vector<512x128xf32>
    %add3A_748 = vector.broadcast %get3A_746 : vector<1x128xf32> to vector<512x128xf32>
    %add3A_749 = arith.addf %add3A_747, %add3A_748 : vector<512x128xf32>
    %slice3A_750 = vector.extract_strided_slice %dot_general3A_678 {offsets = [0, 640], sizes = [512, 128], strides = [1, 1]} : vector<512x1024xf32> to vector<512x128xf32>
    %add3A_751 = arith.addf %add3A_749, %slice3A_750 : vector<512x128xf32>
    %lt3A_752 = arith.cmpf olt, %add3A_751, %min3A_740 : vector<512x128xf32>
    %min3A_753 = arith.minimumf %min3A_740, %add3A_751 : vector<512x128xf32>
    %jit3A_754 = arith.constant 5.300000e+01 : f32
    %broadcast_in_dim3A_755 = vector.broadcast %jit3A_754 : f32 to vector<512x128xf32>
    %select_n3A_756 = arith.select %lt3A_752, %broadcast_in_dim3A_755, %select_n3A_743 : vector<512x128xi1>, vector<512x128xf32>
    %get3A_757 = arith.constant 0 : index
    %get3A_758 = arith.constant 6912 : index
    %get3A_759 = vector.load %arg2[%get3A_757, %get3A_758] : memref<1x8192xf32, #tpu.memory_space<vmem>>, vector<1x128xf32>
    %add3A_760 = vector.broadcast %get3A_6 : vector<512x1xf32> to vector<512x128xf32>
    %add3A_761 = vector.broadcast %get3A_759 : vector<1x128xf32> to vector<512x128xf32>
    %add3A_762 = arith.addf %add3A_760, %add3A_761 : vector<512x128xf32>
    %slice3A_763 = vector.extract_strided_slice %dot_general3A_678 {offsets = [0, 768], sizes = [512, 128], strides = [1, 1]} : vector<512x1024xf32> to vector<512x128xf32>
    %add3A_764 = arith.addf %add3A_762, %slice3A_763 : vector<512x128xf32>
    %lt3A_765 = arith.cmpf olt, %add3A_764, %min3A_753 : vector<512x128xf32>
    %min3A_766 = arith.minimumf %min3A_753, %add3A_764 : vector<512x128xf32>
    %jit3A_767 = arith.constant 5.400000e+01 : f32
    %broadcast_in_dim3A_768 = vector.broadcast %jit3A_767 : f32 to vector<512x128xf32>
    %select_n3A_769 = arith.select %lt3A_765, %broadcast_in_dim3A_768, %select_n3A_756 : vector<512x128xi1>, vector<512x128xf32>
    %get3A_770 = arith.constant 0 : index
    %get3A_771 = arith.constant 7040 : index
    %get3A_772 = vector.load %arg2[%get3A_770, %get3A_771] : memref<1x8192xf32, #tpu.memory_space<vmem>>, vector<1x128xf32>
    %add3A_773 = vector.broadcast %get3A_6 : vector<512x1xf32> to vector<512x128xf32>
    %add3A_774 = vector.broadcast %get3A_772 : vector<1x128xf32> to vector<512x128xf32>
    %add3A_775 = arith.addf %add3A_773, %add3A_774 : vector<512x128xf32>
    %slice3A_776 = vector.extract_strided_slice %dot_general3A_678 {offsets = [0, 896], sizes = [512, 128], strides = [1, 1]} : vector<512x1024xf32> to vector<512x128xf32>
    %add3A_777 = arith.addf %add3A_775, %slice3A_776 : vector<512x128xf32>
    %lt3A_778 = arith.cmpf olt, %add3A_777, %min3A_766 : vector<512x128xf32>
    %min3A_779 = arith.minimumf %min3A_766, %add3A_777 : vector<512x128xf32>
    %jit3A_780 = arith.constant 5.500000e+01 : f32
    %broadcast_in_dim3A_781 = vector.broadcast %jit3A_780 : f32 to vector<512x128xf32>
    %select_n3A_782 = arith.select %lt3A_778, %broadcast_in_dim3A_781, %select_n3A_769 : vector<512x128xi1>, vector<512x128xf32>
    %get3A_783 = arith.constant 7168 : index
    %get3A_784 = arith.constant 0 : index
    %get3A_785 = vector.load %arg4[%get3A_783, %get3A_784] : memref<8192x32xbf16, #tpu.memory_space<vmem>>, vector<1024x32xbf16>
    %dot_general3A_786 = arith.constant dense<0.000000e+00> : vector<512x1024xf32>
    %dot_general3A_787 = tpu.matmul %convert_element_type3A, %get3A_785, %dot_general3A_786 {dimension_numbers = #tpu.dot_dimension_numbers<[0], [1], [1], [0], [0, 1, 1, 0], [], []>, transpose_lhs_hint = false} : vector<32x512xbf16>, vector<1024x32xbf16>, vector<512x1024xf32> -> vector<512x1024xf32>
    %get3A_788 = arith.constant 0 : index
    %get3A_789 = arith.constant 7168 : index
    %get3A_790 = vector.load %arg2[%get3A_788, %get3A_789] : memref<1x8192xf32, #tpu.memory_space<vmem>>, vector<1x128xf32>
    %add3A_791 = vector.broadcast %get3A_6 : vector<512x1xf32> to vector<512x128xf32>
    %add3A_792 = vector.broadcast %get3A_790 : vector<1x128xf32> to vector<512x128xf32>
    %add3A_793 = arith.addf %add3A_791, %add3A_792 : vector<512x128xf32>
    %slice3A_794 = vector.extract_strided_slice %dot_general3A_787 {offsets = [0, 0], sizes = [512, 128], strides = [1, 1]} : vector<512x1024xf32> to vector<512x128xf32>
    %add3A_795 = arith.addf %add3A_793, %slice3A_794 : vector<512x128xf32>
    %lt3A_796 = arith.cmpf olt, %add3A_795, %min3A_779 : vector<512x128xf32>
    %min3A_797 = arith.minimumf %min3A_779, %add3A_795 : vector<512x128xf32>
    %jit3A_798 = arith.constant 5.600000e+01 : f32
    %broadcast_in_dim3A_799 = vector.broadcast %jit3A_798 : f32 to vector<512x128xf32>
    %select_n3A_800 = arith.select %lt3A_796, %broadcast_in_dim3A_799, %select_n3A_782 : vector<512x128xi1>, vector<512x128xf32>
    %get3A_801 = arith.constant 0 : index
    %get3A_802 = arith.constant 7296 : index
    %get3A_803 = vector.load %arg2[%get3A_801, %get3A_802] : memref<1x8192xf32, #tpu.memory_space<vmem>>, vector<1x128xf32>
    %add3A_804 = vector.broadcast %get3A_6 : vector<512x1xf32> to vector<512x128xf32>
    %add3A_805 = vector.broadcast %get3A_803 : vector<1x128xf32> to vector<512x128xf32>
    %add3A_806 = arith.addf %add3A_804, %add3A_805 : vector<512x128xf32>
    %slice3A_807 = vector.extract_strided_slice %dot_general3A_787 {offsets = [0, 128], sizes = [512, 128], strides = [1, 1]} : vector<512x1024xf32> to vector<512x128xf32>
    %add3A_808 = arith.addf %add3A_806, %slice3A_807 : vector<512x128xf32>
    %lt3A_809 = arith.cmpf olt, %add3A_808, %min3A_797 : vector<512x128xf32>
    %min3A_810 = arith.minimumf %min3A_797, %add3A_808 : vector<512x128xf32>
    %jit3A_811 = arith.constant 5.700000e+01 : f32
    %broadcast_in_dim3A_812 = vector.broadcast %jit3A_811 : f32 to vector<512x128xf32>
    %select_n3A_813 = arith.select %lt3A_809, %broadcast_in_dim3A_812, %select_n3A_800 : vector<512x128xi1>, vector<512x128xf32>
    %get3A_814 = arith.constant 0 : index
    %get3A_815 = arith.constant 7424 : index
    %get3A_816 = vector.load %arg2[%get3A_814, %get3A_815] : memref<1x8192xf32, #tpu.memory_space<vmem>>, vector<1x128xf32>
    %add3A_817 = vector.broadcast %get3A_6 : vector<512x1xf32> to vector<512x128xf32>
    %add3A_818 = vector.broadcast %get3A_816 : vector<1x128xf32> to vector<512x128xf32>
    %add3A_819 = arith.addf %add3A_817, %add3A_818 : vector<512x128xf32>
    %slice3A_820 = vector.extract_strided_slice %dot_general3A_787 {offsets = [0, 256], sizes = [512, 128], strides = [1, 1]} : vector<512x1024xf32> to vector<512x128xf32>
    %add3A_821 = arith.addf %add3A_819, %slice3A_820 : vector<512x128xf32>
    %lt3A_822 = arith.cmpf olt, %add3A_821, %min3A_810 : vector<512x128xf32>
    %min3A_823 = arith.minimumf %min3A_810, %add3A_821 : vector<512x128xf32>
    %jit3A_824 = arith.constant 5.800000e+01 : f32
    %broadcast_in_dim3A_825 = vector.broadcast %jit3A_824 : f32 to vector<512x128xf32>
    %select_n3A_826 = arith.select %lt3A_822, %broadcast_in_dim3A_825, %select_n3A_813 : vector<512x128xi1>, vector<512x128xf32>
    %get3A_827 = arith.constant 0 : index
    %get3A_828 = arith.constant 7552 : index
    %get3A_829 = vector.load %arg2[%get3A_827, %get3A_828] : memref<1x8192xf32, #tpu.memory_space<vmem>>, vector<1x128xf32>
    %add3A_830 = vector.broadcast %get3A_6 : vector<512x1xf32> to vector<512x128xf32>
    %add3A_831 = vector.broadcast %get3A_829 : vector<1x128xf32> to vector<512x128xf32>
    %add3A_832 = arith.addf %add3A_830, %add3A_831 : vector<512x128xf32>
    %slice3A_833 = vector.extract_strided_slice %dot_general3A_787 {offsets = [0, 384], sizes = [512, 128], strides = [1, 1]} : vector<512x1024xf32> to vector<512x128xf32>
    %add3A_834 = arith.addf %add3A_832, %slice3A_833 : vector<512x128xf32>
    %lt3A_835 = arith.cmpf olt, %add3A_834, %min3A_823 : vector<512x128xf32>
    %min3A_836 = arith.minimumf %min3A_823, %add3A_834 : vector<512x128xf32>
    %jit3A_837 = arith.constant 5.900000e+01 : f32
    %broadcast_in_dim3A_838 = vector.broadcast %jit3A_837 : f32 to vector<512x128xf32>
    %select_n3A_839 = arith.select %lt3A_835, %broadcast_in_dim3A_838, %select_n3A_826 : vector<512x128xi1>, vector<512x128xf32>
    %get3A_840 = arith.constant 0 : index
    %get3A_841 = arith.constant 7680 : index
    %get3A_842 = vector.load %arg2[%get3A_840, %get3A_841] : memref<1x8192xf32, #tpu.memory_space<vmem>>, vector<1x128xf32>
    %add3A_843 = vector.broadcast %get3A_6 : vector<512x1xf32> to vector<512x128xf32>
    %add3A_844 = vector.broadcast %get3A_842 : vector<1x128xf32> to vector<512x128xf32>
    %add3A_845 = arith.addf %add3A_843, %add3A_844 : vector<512x128xf32>
    %slice3A_846 = vector.extract_strided_slice %dot_general3A_787 {offsets = [0, 512], sizes = [512, 128], strides = [1, 1]} : vector<512x1024xf32> to vector<512x128xf32>
    %add3A_847 = arith.addf %add3A_845, %slice3A_846 : vector<512x128xf32>
    %lt3A_848 = arith.cmpf olt, %add3A_847, %min3A_836 : vector<512x128xf32>
    %min3A_849 = arith.minimumf %min3A_836, %add3A_847 : vector<512x128xf32>
    %jit3A_850 = arith.constant 6.000000e+01 : f32
    %broadcast_in_dim3A_851 = vector.broadcast %jit3A_850 : f32 to vector<512x128xf32>
    %select_n3A_852 = arith.select %lt3A_848, %broadcast_in_dim3A_851, %select_n3A_839 : vector<512x128xi1>, vector<512x128xf32>
    %get3A_853 = arith.constant 0 : index
    %get3A_854 = arith.constant 7808 : index
    %get3A_855 = vector.load %arg2[%get3A_853, %get3A_854] : memref<1x8192xf32, #tpu.memory_space<vmem>>, vector<1x128xf32>
    %add3A_856 = vector.broadcast %get3A_6 : vector<512x1xf32> to vector<512x128xf32>
    %add3A_857 = vector.broadcast %get3A_855 : vector<1x128xf32> to vector<512x128xf32>
    %add3A_858 = arith.addf %add3A_856, %add3A_857 : vector<512x128xf32>
    %slice3A_859 = vector.extract_strided_slice %dot_general3A_787 {offsets = [0, 640], sizes = [512, 128], strides = [1, 1]} : vector<512x1024xf32> to vector<512x128xf32>
    %add3A_860 = arith.addf %add3A_858, %slice3A_859 : vector<512x128xf32>
    %lt3A_861 = arith.cmpf olt, %add3A_860, %min3A_849 : vector<512x128xf32>
    %min3A_862 = arith.minimumf %min3A_849, %add3A_860 : vector<512x128xf32>
    %jit3A_863 = arith.constant 6.100000e+01 : f32
    %broadcast_in_dim3A_864 = vector.broadcast %jit3A_863 : f32 to vector<512x128xf32>
    %select_n3A_865 = arith.select %lt3A_861, %broadcast_in_dim3A_864, %select_n3A_852 : vector<512x128xi1>, vector<512x128xf32>
    %get3A_866 = arith.constant 0 : index
    %get3A_867 = arith.constant 7936 : index
    %get3A_868 = vector.load %arg2[%get3A_866, %get3A_867] : memref<1x8192xf32, #tpu.memory_space<vmem>>, vector<1x128xf32>
    %add3A_869 = vector.broadcast %get3A_6 : vector<512x1xf32> to vector<512x128xf32>
    %add3A_870 = vector.broadcast %get3A_868 : vector<1x128xf32> to vector<512x128xf32>
    %add3A_871 = arith.addf %add3A_869, %add3A_870 : vector<512x128xf32>
    %slice3A_872 = vector.extract_strided_slice %dot_general3A_787 {offsets = [0, 768], sizes = [512, 128], strides = [1, 1]} : vector<512x1024xf32> to vector<512x128xf32>
    %add3A_873 = arith.addf %add3A_871, %slice3A_872 : vector<512x128xf32>
    %lt3A_874 = arith.cmpf olt, %add3A_873, %min3A_862 : vector<512x128xf32>
    %min3A_875 = arith.minimumf %min3A_862, %add3A_873 : vector<512x128xf32>
    %jit3A_876 = arith.constant 6.200000e+01 : f32
    %broadcast_in_dim3A_877 = vector.broadcast %jit3A_876 : f32 to vector<512x128xf32>
    %select_n3A_878 = arith.select %lt3A_874, %broadcast_in_dim3A_877, %select_n3A_865 : vector<512x128xi1>, vector<512x128xf32>
    %get3A_879 = arith.constant 0 : index
    %get3A_880 = arith.constant 8064 : index
    %get3A_881 = vector.load %arg2[%get3A_879, %get3A_880] : memref<1x8192xf32, #tpu.memory_space<vmem>>, vector<1x128xf32>
    %add3A_882 = vector.broadcast %get3A_6 : vector<512x1xf32> to vector<512x128xf32>
    %add3A_883 = vector.broadcast %get3A_881 : vector<1x128xf32> to vector<512x128xf32>
    %add3A_884 = arith.addf %add3A_882, %add3A_883 : vector<512x128xf32>
    %slice3A_885 = vector.extract_strided_slice %dot_general3A_787 {offsets = [0, 896], sizes = [512, 128], strides = [1, 1]} : vector<512x1024xf32> to vector<512x128xf32>
    %add3A_886 = arith.addf %add3A_884, %slice3A_885 : vector<512x128xf32>
    %lt3A_887 = arith.cmpf olt, %add3A_886, %min3A_875 : vector<512x128xf32>
    %min3A_888 = arith.minimumf %min3A_875, %add3A_886 : vector<512x128xf32>
    %jit3A_889 = arith.constant 6.300000e+01 : f32
    %broadcast_in_dim3A_890 = vector.broadcast %jit3A_889 : f32 to vector<512x128xf32>
    %select_n3A_891 = arith.select %lt3A_887, %broadcast_in_dim3A_890, %select_n3A_878 : vector<512x128xi1>, vector<512x128xf32>
    %reduce_min3A_892 = arith.constant dense<0x7F800000> : vector<512xf32>
    %reduce_min3A_893 = vector.multi_reduction <minimumf>, %min3A_888, %reduce_min3A_892 [1] : vector<512x128xf32> to vector<512xf32>
    %broadcast_in_dim3A_894 = vector.shape_cast %reduce_min3A_893 : vector<512xf32> to vector<512x1xf32>
    %mul3A_895 = arith.constant 1.280000e+02 : f32
    %mul3A_896 = vector.broadcast %mul3A_895 : f32 to vector<512x128xf32>
    %mul3A_897 = arith.mulf %select_n3A_891, %mul3A_896 : vector<512x128xf32>
    %add3A_898 = arith.addf %mul3A_897, %convert_element_type3A_7 : vector<512x128xf32>
    %eq3A_899 = vector.broadcast %broadcast_in_dim3A_894 : vector<512x1xf32> to vector<512x128xf32>
    %eq3A_900 = arith.cmpf oeq, %min3A_888, %eq3A_899 : vector<512x128xf32>
    %jit3A_901 = arith.constant 8.192000e+03 : f32
    %broadcast_in_dim3A_902 = vector.broadcast %jit3A_901 : f32 to vector<512x128xf32>
    %select_n3A_903 = arith.select %eq3A_900, %add3A_898, %broadcast_in_dim3A_902 : vector<512x128xi1>, vector<512x128xf32>
    %reduce_min3A_904 = arith.constant dense<0x7F800000> : vector<512xf32>
    %reduce_min3A_905 = vector.multi_reduction <minimumf>, %select_n3A_903, %reduce_min3A_904 [1] : vector<512x128xf32> to vector<512xf32>
    %broadcast_in_dim3A_906 = vector.shape_cast %reduce_min3A_905 : vector<512xf32> to vector<512x1xf32>
    %convert_element_type3A_907 = arith.truncf %broadcast_in_dim3A_441 : vector<512x1xf32> to vector<512x1xbf16>
    %convert_element_type3A_908 = arith.extf %convert_element_type3A_907 : vector<512x1xbf16> to vector<512x1xf32>
    %lt3A_909 = arith.cmpf olt, %broadcast_in_dim3A_894, %convert_element_type3A_908 : vector<512x1xf32>
    %select_n3A_910 = arith.select %lt3A_909, %broadcast_in_dim3A_906, %broadcast_in_dim3A_451 : vector<512x1xi1>, vector<512x1xf32>
    %convert_element_type3A_911 = arith.fptosi %select_n3A_910 : vector<512x1xf32> to vector<512x1xi32>
    %swap3A = arith.constant 0 : index
    %swap3A_912 = arith.constant 0 : index
    %swap3A_913 = vector.load %arg5[%swap3A, %swap3A_912] : memref<512x1xi32, #tpu.memory_space<vmem>>, vector<512x1xi32>
    tpu.vector_store %arg5[%swap3A, %swap3A_912], %convert_element_type3A_911 {strides = array<i32>} : memref<512x1xi32, #tpu.memory_space<vmem>>, vector<512x1xi32>,
    %select_n3A_914 = arith.select %lt3A_909, %broadcast_in_dim3A_894, %broadcast_in_dim3A_441 : vector<512x1xi1>, vector<512x1xf32>
    %eq3A_915 = arith.constant 0 : i32
    %eq3A_916 = arith.cmpi eq, %arg0, %eq3A_915 : i32
    %convert_element_type3A_917 = arith.extui %eq3A_916 : i1 to i32
    %cond3A = arith.constant 0 : i32
    %cond3A_918 = arith.cmpi ne, %convert_element_type3A_917, %cond3A : i32
    scf.if %cond3A_918 {
      %broadcast_in_dim3A_931 = arith.constant 0.000000e+00 : f32
      %broadcast_in_dim3A_932 = vector.broadcast %broadcast_in_dim3A_931 : f32 to vector<1x1xf32>
      %swap3A_933 = arith.constant 0 : index
      %swap3A_934 = arith.constant 0 : index
      %swap3A_935 = vector.load %arg6[%swap3A_933, %swap3A_934] : memref<1x1xf32, #tpu.memory_space<vmem>>, vector<1x1xf32>
      tpu.vector_store %arg6[%swap3A_933, %swap3A_934], %broadcast_in_dim3A_932 {strides = array<i32>} : memref<1x1xf32, #tpu.memory_space<vmem>>, vector<1x1xf32>,
    } else {
    }
    %get3A_919 = arith.constant 0 : index
    %get3A_920 = arith.constant 0 : index
    %get3A_921 = vector.load %arg6[%get3A_919, %get3A_920] : memref<1x1xf32, #tpu.memory_space<vmem>>, vector<1x1xf32>
    %reduce_sum3A = vector.shape_cast %select_n3A_914 : vector<512x1xf32> to vector<1x512x1xf32>
    %reduce_sum3A_922 = arith.constant dense<0.000000e+00> : vector<1xf32>
    %reduce_sum3A_923 = vector.multi_reduction <add>, %reduce_sum3A, %reduce_sum3A_922 [1, 2] : vector<1x512x1xf32> to vector<1xf32>
    %reduce_sum3A_924 = vector.shape_cast %reduce_sum3A_923 : vector<1xf32> to vector<1x1x1xf32>
    %reduce_sum3A_925 = vector.extract %reduce_sum3A_924[0, 0, 0] : f32 from vector<1x1x1xf32>
    %add3A_926 = vector.broadcast %reduce_sum3A_925 : f32 to vector<1x1xf32>
    %add3A_927 = arith.addf %get3A_921, %add3A_926 : vector<1x1xf32>
    %swap3A_928 = arith.constant 0 : index
    %swap3A_929 = arith.constant 0 : index
    %swap3A_930 = vector.load %arg6[%swap3A_928, %swap3A_929] : memref<1x1xf32, #tpu.memory_space<vmem>>, vector<1x1xf32>
    tpu.vector_store %arg6[%swap3A_928, %swap3A_929], %add3A_927 {strides = array<i32>} : memref<1x1xf32, #tpu.memory_space<vmem>>, vector<1x1xf32>,
    return
  }
  func.func @transform_0(%arg0: i32) -> (i32, i32) {
    %c0_i32 = arith.constant 0 : i32
    %c0_i32_0 = arith.constant 0 : i32
    return %arg0, %c0_i32 : i32, i32
  }
  func.func @transform_1(%arg0: i32) -> (i32, i32) {
    %c0_i32 = arith.constant 0 : i32
    %c0_i32_0 = arith.constant 0 : i32
    %c0_i32_1 = arith.constant 0 : i32
    return %c0_i32, %c0_i32_0 : i32, i32
  }
  func.func @transform_2(%arg0: i32) -> (i32, i32, i32) {
    %jit3A = arith.constant 4 : i32
    %div3A = arith.divsi %arg0, %jit3A : i32
    %sign3A = arith.constant 0 : i32
    %sign3A_0 = arith.cmpi sgt, %arg0, %sign3A : i32
    %sign3A_1 = arith.extui %sign3A_0 : i1 to i32
    %sign3A_2 = arith.constant 0 : i32
    %sign3A_3 = arith.cmpi slt, %arg0, %sign3A_2 : i32
    %sign3A_4 = arith.extui %sign3A_3 : i1 to i32
    %sign3A_5 = arith.subi %sign3A_1, %sign3A_4 : i32
    %sign3A_6 = arith.constant 0 : i32
    %sign3A_7 = arith.cmpi sgt, %jit3A, %sign3A_6 : i32
    %sign3A_8 = arith.extui %sign3A_7 : i1 to i32
    %sign3A_9 = arith.constant 0 : i32
    %sign3A_10 = arith.cmpi slt, %jit3A, %sign3A_9 : i32
    %sign3A_11 = arith.extui %sign3A_10 : i1 to i32
    %sign3A_12 = arith.subi %sign3A_8, %sign3A_11 : i32
    %ne3A = arith.cmpi ne, %sign3A_5, %sign3A_12 : i32
    %rem3A = arith.remsi %arg0, %jit3A : i32
    %ne3A_13 = arith.constant 0 : i32
    %ne3A_14 = arith.cmpi ne, %rem3A, %ne3A_13 : i32
    %and3A = arith.andi %ne3A, %ne3A_14 : i1
    %sub3A = arith.constant 1 : i32
    %sub3A_15 = arith.subi %div3A, %sub3A : i32
    %select_n3A = arith.select %and3A, %sub3A_15, %div3A : i32
    %jit3A_16 = arith.constant 4 : i32
    %eq3A = arith.constant 0 : i32
    %eq3A_17 = arith.cmpi eq, %jit3A_16, %eq3A : i32
    %jit3A_18 = arith.constant 1 : i32
    %select_n3A_19 = arith.select %eq3A_17, %jit3A_18, %jit3A_16 : i32
    %rem3A_20 = arith.remsi %arg0, %select_n3A_19 : i32
    %ne3A_21 = arith.constant 0 : i32
    %ne3A_22 = arith.cmpi ne, %rem3A_20, %ne3A_21 : i32
    %lt3A = arith.constant 0 : i32
    %lt3A_23 = arith.cmpi slt, %rem3A_20, %lt3A : i32
    %lt3A_24 = arith.constant 0 : i32
    %lt3A_25 = arith.cmpi slt, %select_n3A_19, %lt3A_24 : i32
    %ne3A_26 = arith.xori %lt3A_23, %lt3A_25 : i1
    %and3A_27 = arith.andi %ne3A_26, %ne3A_22 : i1
    %add3A = arith.addi %rem3A_20, %select_n3A_19 : i32
    %select_n3A_28 = arith.select %and3A_27, %add3A, %rem3A_20 : i32
    %c0_i32 = arith.constant 0 : i32
    %c0_i32_29 = arith.constant 0 : i32
    return %select_n3A, %c0_i32, %select_n3A_28 : i32, i32, i32
  }
  func.func @transform_3(%arg0: i32) -> (i32, i32) {
    %c0_i32 = arith.constant 0 : i32
    %c0_i32_0 = arith.constant 0 : i32
    %c0_i32_1 = arith.constant 0 : i32
    return %c0_i32, %c0_i32_0 : i32, i32
  }
  func.func @transform_4(%arg0: i32) -> (i32, i32) {
    %c0_i32 = arith.constant 0 : i32
    %c0_i32_0 = arith.constant 0 : i32
    return %arg0, %c0_i32 : i32, i32
  }
  func.func @transform_5(%arg0: i32) -> (i32, i32) {
    %c0_i32 = arith.constant 0 : i32
    %c0_i32_0 = arith.constant 0 : i32
    %c0_i32_1 = arith.constant 0 : i32
    return %c0_i32, %c0_i32_0 : i32, i32
  }
}

</mosaic_0001>

<sc_bundles>
// kernel: kernel.4.cloned.1.call-start
scs
__scs_entry_jumppad:
0x0: {  	(pc) =	sbr.rel $0x88, $3  }
0x1: {  	(tag) =	ssettag $0x0;
	lr =	simm.s32 $0x1  }
0x2: {  	[smem:$0x3F9F] =	sst lr;
	_ =	strace $0xD0000000  }
0x3: {  	_ = 	snop  }
0x4: {  	_ = 	snop  }
0x5: {  	_ = 	snop  }
0x6: {  	_ = 	snop  }
0x7: {  	_ = 	snop  }
__scs_overlays_trampoline_lowered:
0x8: {  	[smem:$0x3FAE] =	sst s0  }
0x9: {  	[smem:$0x3FAF] =	sst s1  }
0xa: {  	[smem:$0x3FB0] =	sst s2  }
0xb: {  	[smem:$0x3FB1] =	sst s3  }
0xc: {  	[smem:$0x3FB2] =	sst s4  }
0xd: {  	[smem:$0x3FB3] =	sst s5  }
0xe: {  	[smem:$0x3FB4] =	sst s6  }
0xf: {  	[smem:$0x3FB5] =	sst s7  }
0x10: {  	[smem:$0x3FB6] =	sst s8  }
0x11: {  	[smem:$0x3FB7] =	sst s9;
	s0 =	simm.s32 @!p0 $0x0  }
0x12: {  	s1 =	sld [smem:$0x3F9D];
	s0 =	simm.s32 @p0 $0x1  }
0x13: {  	[smem:$0x3FB8] =	sst s0;
	s0 =	simm.s32 @!p1 $0x0  }
0x14: {  	s2 =	sld [smem:$0x3F9C];
	s0 =	simm.s32 @p1 $0x1  }
0x15: {  	[smem:$0x3FB9] =	sst s0;
	s0 =	simm.s32 @!p2 $0x0  }
0x16: {  	s3 =	sld [smem:$0x3FDB];
	s0 =	simm.s32 @p2 $0x1  }
0x17: {  	s4 =	simm.s32 $0x1BF5;
	[smem:$0x3FBB] =	sst s0  }
0x18: {  	s0 =	sld [smem:$0x3F9E];
	_ =	swait.ge [sflag:s4], $0x0  }
0x19: {  	s7 =	sld [smem:$0x3F9F]  }
0x1a: {  	s8 =	sadd.s32 $0xFFFFE003, lr  }
0x1b: {  	s9 =	sadd.s32 $0xFFFFFEF7, lr;
	s5 =	simm.s32 $0xFFFFFFFF;
	p2 =	slt.u32 s8, $0xFFFFF086  }
0x1c: {  	p1 =	slt.u32 s9, $0xF7A;
	s5 =	simm.s32 @!p2 $0x0  }
0x1d: {  	s5 =	simm.s32 @p1 $0x1;
	p0 =	seq.s32 s7, s2  }
0x1e: {  	s7 =	smul.u32 @!p0 $0xF7A, s2;
	p2 =	seq.s32 @!p0 s5, $0x0  }
0x1f: {  	s9 =	smul.u32 $0xF7A, s1;
	s8 =	simm.s32 @!p0 $0x1BF5;
	p2 =	por !p2, p0  }
0x20: {  	[sflag:s8] =	ssyncset.s32 @!p0 $0xFFFFF086;
	s6 =	sadd.s32 @!p0 s3, s7;
	s7 =	simm.s32 @!p0 $0x108  }
0x21: {  	s3 =	sadd.s32 s3, s9;
	s6 =	sadd.s32 @!p0 $0x88, s6;
	s7 =	simm.s32 @p2 $0x1082  }
0x22: {  	[simem:s7], [sflag:s8] =	dma.local @!p0 [hbm:s6], $0xF7A  }
0x23: {  	s9 =	sor.u32 $0xD0000000, s2;
	s6 =	simm.s32 $0x108;
	_ =	swait.ge @!p0 [sflag:s8], $0x0  }
0x24: {  	s3 =	sadd.s32 $0x88, s3;
	s6 =	simm.s32 @!p1 $0x1082;
	[sflag:s4] =	ssyncset.s32 $0xFFFFF086  }
0x25: {  	[simem:s6], [sflag:s4] =	dma.local [hbm:s3], $0xF7A  }
0x26: {  	[smem:$0x3F9F] =	sst s1;
	(tag) =	ssettag s2;
	_ =	strace s9  }
0x27: {  	s1 =	sld [smem:$0x3FAF]  }
0x28: {  	s2 =	sld [smem:$0x3FB0]  }
0x29: {  	s4 =	sld [smem:$0x3FB2]  }
0x2a: {  	p0 =	seq.s32 s5, $0x0;
	s5 =	sld [smem:$0x3FB3]  }
0x2b: {  	s6 =	sld [smem:$0x3FB4]  }
0x2c: {  	s7 =	sld [smem:$0x3FB5]  }
0x2d: {  	s3 =	simm.s32 $0x108;
	s8 =	sld [smem:$0x3FB6]  }
0x2e: {  	s3 =	simm.s32 @!p0 $0x1082;
	s9 =	sld [smem:$0x3FB7]  }
0x2f: {  	lr =	sadd.s32 s0, s3;
	s0 =	sld [smem:$0x3FAE]  }
0x30: {  	s3 =	sld [smem:$0x3FB1]  }
0x31: {  	[smem:$0x3FBA] =	sst s10  }
0x32: {  	s10 =	sld [smem:$0x3FB8];
	_ =	sdelay $0x3  }
0x33: {  	p0 =	seq.s32 s10, $0x1;
	s10 =	sld [smem:$0x3FBA];
	_ =	sdelay $0x3  }
0x34: {  	[smem:$0x3FBA] =	sst s10  }
0x35: {  	s10 =	sld [smem:$0x3FB9];
	_ =	sdelay $0x3  }
0x36: {  	p1 =	seq.s32 s10, $0x1;
	s10 =	sld [smem:$0x3FBA];
	_ =	sdelay $0x3  }
0x37: {  	[smem:$0x3FBA] =	sst s10  }
0x38: {  	s10 =	sld [smem:$0x3FBB]  }
0x39: {  	_ = 	snop;
	(pc) =	sbr.ind lr, $3  }
0x3a: {  	_ = 	snop  }
0x3b: {  	_ = 	snop  }
0x3c: {  	p2 =	seq.s32 s10, $0x1;
	s10 =	sld [smem:$0x3FBA]  }
0x3d: {  	_ =	shalt  }
0x3e: {  	_ =	shalt  }
0x3f: {  	_ =	shalt  }
0x40: {  	_ =	shalt  }
0x41: {  	_ =	shalt  }
0x42: {  	_ =	shalt  }
0x43: {  	_ =	shalt  }
0x44: {  	_ =	shalt  }
0x45: {  	_ =	shalt  }
0x46: {  	_ =	shalt  }
0x47: {  	_ =	shalt  }
0x48: {  	_ =	shalt  }
0x49: {  	_ =	shalt  }
0x4a: {  	_ =	shalt  }
0x4b: {  	_ =	shalt  }
0x4c: {  	_ =	shalt  }
0x4d: {  	_ =	shalt  }
0x4e: {  	_ =	shalt  }
0x4f: {  	_ =	shalt  }
0x50: {  	_ =	shalt  }
0x51: {  	_ =	shalt  }
0x52: {  	_ =	shalt  }
0x53: {  	_ =	shalt  }
0x54: {  	_ =	shalt  }
0x55: {  	_ =	shalt  }
0x56: {  	_ =	shalt  }
0x57: {  	_ =	shalt  }
0x58: {  	_ =	shalt  }
0x59: {  	_ =	shalt  }
0x5a: {  	_ =	shalt  }
0x5b: {  	_ =	shalt  }
0x5c: {  	_ =	shalt  }
0x5d: {  	_ =	shalt  }
0x5e: {  	_ =	shalt  }
0x5f: {  	_ =	shalt  }
0x60: {  	_ =	shalt  }
0x61: {  	_ =	shalt  }
0x62: {  	_ =	shalt  }
0x63: {  	_ =	shalt  }
0x64: {  	_ =	shalt  }
0x65: {  	_ =	shalt  }
0x66: {  	_ =	shalt  }
0x67: {  	_ =	shalt  }
0x68: {  	_ =	shalt  }
0x69: {  	_ =	shalt  }
0x6a: {  	_ =	shalt  }
0x6b: {  	_ =	shalt  }
0x6c: {  	_ =	shalt  }
0x6d: {  	_ =	shalt  }
0x6e: {  	_ =	shalt  }
0x6f: {  	_ =	shalt  }
0x70: {  	_ =	shalt  }
0x71: {  	_ =	shalt  }
0x72: {  	_ =	shalt  }
0x73: {  	_ =	shalt  }
0x74: {  	_ =	shalt  }
0x75: {  	_ =	shalt  }
0x76: {  	_ =	shalt  }
0x77: {  	_ =	shalt  }
0x78: {  	_ =	shalt  }
0x79: {  	_ =	shalt  }
0x7a: {  	_ =	shalt  }
0x7b: {  	_ =	shalt  }
0x7c: {  	_ =	shalt  }
0x7d: {  	_ =	shalt  }
0x7e: {  	_ =	shalt  }
0x7f: {  	_ =	shalt  }
0x80: {  	_ =	shalt  }
0x81: {  	_ =	shalt  }
0x82: {  	_ =	shalt  }
0x83: {  	_ =	shalt  }
0x84: {  	_ =	shalt  }
0x85: {  	_ =	shalt  }
0x86: {  	_ =	shalt  }
0x87: {  	_ =	shalt  }
.Lfunc_end0:
.L_simem_size_0:
called_computation_lowered:
.L_overlay_start_0:
0x88: {  	s2 =	sld [smem:$0x3FD9]  }
0x89: {  	s3 =	sld [smem:$0x3FFE];
	_ =	sdelay $0x1  }
0x8a: {  	s1 =	srdreg.scid  }
0x8b: {  	s0 =	sand.u32 $0x1, s1  }
0x8c: {  	s14 =	sshll.u32 s0, $0xA;
	s2 =	sadd.s32 s3, s2  }
0x8d: {  	s2 =	sadd.s32 s2, s14  }
0x8e: {  	[smem:$0x3FC6] =	sst s2  }
0x8f: {  	_ = 	snop  }
0x90: {  	s2 =	sld [smem:$0x3FD0];
	_ =	sdelay $0x2  }
0x91: {  	s15 =	simm.s32 $0xA;
	s4 =	simm.s32 $0x10  }
0x92: {  	[smem:s4], [sflag:s15] =	dma.local [hbm:s2], $0x1  }
0x93: {  	_ =	swait.eq [sflag:s15], $0x1  }
0x94: {  	[sflag:s15] =	ssyncset.done $0x0  }
0x95: {  	s16 =	sld [smem:$0x10];
	[sflag:s15] =	ssyncadd.s32 $0xFFFFFFFF  }
0x96: {  	s17 =	sld [smem:$0x12];
	(tm) =	ssettm $0x1  }
0x97: {  	s18 =	sld [smem:$0x3FFB];
	_ =	sdelay $0x3  }
0x98: {  	_ =	strace s18  }
0x99: {  	s4 =	sld [smem:$0x3FFC];
	_ =	sdelay $0x3  }
0x9a: {  	_ =	strace s4  }
0x9b: {  	s4 =	sld [smem:$0x3FFD];
	_ =	sdelay $0x3  }
0x9c: {  	_ =	strace s4  }
0x9d: {  	_ =	strace $0x8FFFFFFF  }
0x9e: {  	s19 =	sld [smem:$0x3FDB];
	_ =	sdelay $0x1  }
0x9f: {  	s5 =	simm.s32 $_scs_section_size  }
0xa0: {  	s6 =	simm.s32 $_size__tile_overlayer_lowered;
	s7 =	simm.s32 $_tile_overlayer_lowered  }
0xa1: {  	s22 =	simm.s32 $0x1BFF;
	s21 =	sshll.u32 s7, $0x1;
	s4 =	sadd.s32 s5, s19  }
0xa2: {  	s8 =	simm.s32 $0x0;
	s20 =	sshll.u32 s6, $0x1;
	s6 =	sadd.s32 s21, s4  }
0xa3: {  	[timem:s8], [sflag:s22] =	dma.local [hbm:s6], s20  }
0xa4: {  	_ =	swait.ge [sflag:s22], s20  }
0xa5: {  	s5 =	ssub.s32 $0x0, s20;
	[sflag:s22] =	ssyncset.done $0x0  }
0xa6: {  	[sflag:s22] =	ssyncadd.s32 s5;
	_ =	sdelay $0x1  }
0xa7: {  	s23 =	simm.s32 $0x1B8B  }
0xa8: {  	_ =	swait.ge [sflag:s23], $0x1  }
0xa9: {  	[sflag:s23] =	ssyncset.done $0x0  }
0xaa: {  	s25 =	simm.s32 $0x1B8E;
	s24 =	sld [smem:$0x3FFE];
	[sflag:s23] =	ssyncadd.s32 $0xFFFFFFFF  }
0xab: {  	s26 =	simm.s32 $execute0_lowered;
	[smem:$0x3FD2] =	sst s25  }
0xac: {  	s6 =	sshll.u32 s26, $0x1;
	_ =	strace $0x80000046;
	[dreg:$0x1] =	wrdreg $0xFFFFFFFF  }
0xad: {  	s28 =	simm.s32 $_size_execute0_lowered;
	s4 =	sadd.s32 s4, s6;
	[dreg:$0x0] =	wrdreg $0x0  }
0xae: {  	s6 =	sshll.u32 s28, $0x1;
	[dreg:$0x2] =	wrdreg s4  }
0xaf: {  	[dreg:$0x3] =	wrdreg s6  }
0xb0: {  	[dreg:$0x4] =	wrdreg $0xC0  }
0xb1: {  	_ =	task [dreg:s8], $0x5FFFF  }
0xb2: {  	[dreg:$0x1] =	wrdreg $0xFFFFFFFF  }
0xb3: {  	[dreg:$0x0] =	wrdreg $0x60  }
0xb4: {  	[dreg:$0x2] =	wrdreg s24  }
0xb5: {  	[dreg:$0x3] =	wrdreg s17  }
0xb6: {  	[dreg:$0x4] =	wrdreg s16  }
0xb7: {  	[dreg:$0x5] =	wrdreg $0x9  }
0xb8: {  	_ =	task.clear_ibuf [dreg:s8], $0x6FFFF;
	_ =	strace $0x90000046  }
0xb9: {  	s29 =	simm.s32 $0x9;
	_ =	strace $0x80000048  }
0xba: {  	_ =	swait.ge [sflag:s29], $0x1  }
0xbb: {  	[sflag:s29] =	ssyncadd.s32 $0xFFFFFFFF  }
0xbc: {  	_ =	strace $0x90000048  }
0xbd: {  	_ =	sfence  }
0xbe: {  	s30 =	sld [smem:$0x0];
	_ =	sdelay $0x2  }
0xbf: {  	s31 =	sshll.u32 s1, $0xD;
	s1 =	sshrl.u32 s1, $0x2  }
0xc0: {  	s3 =	sand.u32 $0x4000, s31;
	s1 =	sadd.s32 s1, s30  }
0xc1: {  	s0 =	sor.u32 s3, s0;
	s1 =	sshll.u32 s1, $0x11  }
0xc2: {  	s0 =	sor.u32 s1, s0  }
0xc3: {  	s0 =	sadd.s32 $0x8F2B, s0  }
0xc4: {  	[sflag:s0] =	ssyncadd.remote.s32 $0x1  }
0xc5: {  	_ =	sfence.sel $0xFFFF  }
0xc6: {  	[dreg:$0x0] =	wrdreg $0xFFFFFFFF;
	(pc) =	sbr.abs _section_cstart, $3  }
0xc7: {  	[dreg:$0x1] =	wrdreg $0xFFFFFFFF  }
0xc8: {  	_ =	task.clear_ibuf [dreg:s8], $0x2FFFF;
	_ =	strace $0x9FFFFFFF  }
0xc9: {  	(tm) =	ssettm $0x7FFFFFFF  }
tec
execute0_lowered:
.L_overlay_start_1:
0x0: {  	(tag) =	ssettag $0x1  }
0x1: {  	s2 =	rddreg [dreg:$0x0]  }
0x2: {  	s4 =	rddreg [dreg:$0x1]  }
0x3: {  	s1 =	srdreg.scid;
	s0 =	stileid.u32  }
0x4: {  	s14 =	rddreg [dreg:$0x2];
	s15 =	sand.u32 $0x1, s1;
	s5 =	sshll.u32 s0, $0x1  }
0x5: {  	s3 =	simm.s32 $0x0;
	s1 =	rddreg [dreg:$0x3];
	s16 =	sor.u32 s15, s5  }
0x6: {  	[smem:$0x7FF] =	sst s3;
	s5 =	sshll.u32 s16, $0x6  }
0x7: {  	_ =	strace $0x80000047;
	s5 =	sadd.s32 s4, s5;
	s4 =	simm.s32 $0x2  }
0x8: {  	[tilespmem:s3], [sflag:$0x2] =	stream.linear.gather [hbm4b:s5+s3], $0x200, $0x38;
	[tilespmem:$0x4200] =	vst v63  }
0x9: {  	_ =	swait.ge [sflag:s4], $0x200  }
0xa: {  	[sflag:s4] =	ssyncset.done $0x0  }
0xb: {  	s6 =	simm.s32 $0x80;
	s7 =	simm.s32 $0x200;
	[sflag:s4] =	ssyncadd.s32 $0xFFFFFE00  }
0xc: {  	[tilespmem:s7], [sflag:$0x1] =	stream.indirect.gather [hbm4b:s2+s6], $0x20, s3, s6, $0xb8;
	[tilespmem:$0x4200] =	vst v63  }
0xd: {  	s8 =	simm.s32 $0x1200  }
0xe: {  	[tilespmem:s8], [sflag:$0x1] =	stream.indirect.gather [hbm4b:s2+s6], $0x20, s6, s6, $0xb8;
	[tilespmem:$0x4200] =	vst v63  }
0xf: {  	s9 =	simm.s32 $0x100;
	s10 =	simm.s32 $0x2200  }
0x10: {  	[tilespmem:s10], [sflag:$0x1] =	stream.indirect.gather [hbm4b:s2+s6], $0x20, s9, s6, $0xb8;
	[tilespmem:$0x4200] =	vst v63  }
0x11: {  	s11 =	simm.s32 $0x180;
	s12 =	simm.s32 $0x3200;
	s13 =	simm.s32 $0x1  }
0x12: {  	[tilespmem:s12], [sflag:$0x1] =	stream.indirect.gather [hbm4b:s2+s6], $0x20, s11, s6, $0xb8;
	[tilespmem:$0x4200] =	vst v63  }
0x13: {  	_ =	swait.ge [sflag:s13], $0x1000  }
0x14: {  	[sflag:s13] =	ssyncset.done $0x0  }
0x15: {  	[sflag:s13] =	ssyncadd.s32 $0xFFFFF000  }
0x16: {  	_ =	swait.ge [sflag:s13], $0x1000  }
0x17: {  	[sflag:s13] =	ssyncset.done $0x0  }
0x18: {  	s15 =	ssub.s32 $0x2, s15;
	[sflag:s13] =	ssyncadd.s32 $0xFFFFF000  }
0x19: {  	s17 =	sshrl.u32 s15, $0x1;
	_ =	swait.ge [sflag:s13], $0x1000  }
0x1a: {  	s15 =	ssub.s32 s15, s17;
	[sflag:s13] =	ssyncset.done $0x0  }
0x1b: {  	s15 =	smax.u32 s15, $0x1;
	[sflag:s13] =	ssyncadd.s32 $0xFFFFF000  }
0x1c: {  	p0 =	sne.s32 s15, $0x1;
	_ =	swait.ge [sflag:s13], $0x1000  }
.Ltmp0:
0x1d: {  	s16 =	sshll.u32 s16, $0xB;
	[sflag:s13] =	ssyncset.done $0x0;
	(pc) =	sbr.rel @!p0 .LBB2_2-.Ltmp0, $4  }
0x1e: {  	s14 =	sadd.s32 s14, s16;
	[sflag:s13] =	ssyncadd.s32 $0xFFFFF000  }
0x1f: {  	[hbm4b:s14+s3] =	stream.linear.scatter [tilespmem:s7], [sflag:$0x2], $0x4000, $0x38;
	[tilespmem:$0x4200] =	vst v63  }
0x20: {  	_ =	swait.ge [sflag:s4], $0x4000  }
0x21: {  	s15 =	sadd.s32 $0xFFFFFFFF, s15;
	[sflag:s4] =	ssyncset.done $0x0  }
.LBB2_1:
0x22: {  	p0 =	sne.s32 s15, $0x1;
	s15 =	sadd.s32 $0xFFFFFFFF, s15;
	[sflag:s4] =	ssyncadd.s32 $0xFFFFC000  }
0x23: {  	[tilespmem:s3], [sflag:$0x2] =	stream.linear.gather [hbm4b:s5+s3], $0x200, $0x38;
	[tilespmem:$0x4200] =	vst v63  }
0x24: {  	_ =	swait.ge [sflag:s4], $0x200  }
0x25: {  	[sflag:s4] =	ssyncset.done $0x0  }
0x26: {  	[sflag:s4] =	ssyncadd.s32 $0xFFFFFE00  }
0x27: {  	[tilespmem:s7], [sflag:$0x1] =	stream.indirect.gather [hbm4b:s2+s6], $0x20, s3, s6, $0xb8;
	[tilespmem:$0x4200] =	vst v63  }
0x28: {  	_ = 	snop  }
0x29: {  	[tilespmem:s8], [sflag:$0x1] =	stream.indirect.gather [hbm4b:s2+s6], $0x20, s6, s6, $0xb8;
	[tilespmem:$0x4200] =	vst v63  }
0x2a: {  	_ = 	snop  }
0x2b: {  	[tilespmem:s10], [sflag:$0x1] =	stream.indirect.gather [hbm4b:s2+s6], $0x20, s9, s6, $0xb8;
	[tilespmem:$0x4200] =	vst v63  }
0x2c: {  	_ = 	snop  }
0x2d: {  	[tilespmem:s12], [sflag:$0x1] =	stream.indirect.gather [hbm4b:s2+s6], $0x20, s11, s6, $0xb8;
	[tilespmem:$0x4200] =	vst v63  }
0x2e: {  	_ =	swait.ge [sflag:s13], $0x1000  }
0x2f: {  	[sflag:s13] =	ssyncset.done $0x0  }
0x30: {  	[sflag:s13] =	ssyncadd.s32 $0xFFFFF000  }
0x31: {  	_ =	swait.ge [sflag:s13], $0x1000  }
0x32: {  	[sflag:s13] =	ssyncset.done $0x0  }
0x33: {  	[sflag:s13] =	ssyncadd.s32 $0xFFFFF000  }
0x34: {  	_ =	swait.ge [sflag:s13], $0x1000  }
0x35: {  	[sflag:s13] =	ssyncset.done $0x0  }
0x36: {  	[sflag:s13] =	ssyncadd.s32 $0xFFFFF000  }
0x37: {  	_ =	swait.ge [sflag:s13], $0x1000  }
.Ltmp1:
0x38: {  	[sflag:s13] =	ssyncset.done $0x0;
	(pc) =	sbr.rel @p0 .LBB2_1-.Ltmp1, $4  }
0x39: {  	[sflag:s13] =	ssyncadd.s32 $0xFFFFF000  }
0x3a: {  	[hbm4b:s14+s3] =	stream.linear.scatter [tilespmem:s7], [sflag:$0x2], $0x4000, $0x38;
	[tilespmem:$0x4200] =	vst v63  }
0x3b: {  	_ =	swait.ge [sflag:s4], $0x4000  }
0x3c: {  	[sflag:s4] =	ssyncset.done $0x0  }
.LBB2_2:
0x3d: {  	[sflag:s4] =	ssyncadd.s32 $0xFFFFC000  }
0x3e: {  	_ =	sfence.sel $0x180000  }
0x3f: {  	[bflag:$0x0] =	sbarrier.arrive $0xFFFF  }
0x40: {  	p0 =	sne.s32 s0, $0x0;
	_ =	strace $0x90000047  }
0x41: {  	s0 =	sadd.s32 @!p0 $0x100000, s1;
	[bflag:$0x2] =	sbarrier.arrive $0xFFFF  }
0x42: {  	[sflag:s0] =	ssyncadd.tile.s32 @!p0 $0x1;
	_ =	shalt  }
.Lfunc_end2:
_tile_overlayer_lowered:
.L_overlay_start_2:
0x43: {  	(tag) =	ssettag $0x2  }
0x44: {  	s0 =	rddreg [dreg:$0x0];
	s2 =	stileid.u32  }
0x45: {  	s1 =	rddreg [dreg:$0x1];
	p0 =	sne.s32 s2, $0x0  }
0x46: {  	s3 =	rddreg [dreg:$0x2];
	[bflag:$0x3] =	sbarrier.arrive $0xFFFF;
	s2 =	simm.s32 @!p0 $0x1C02  }
0x47: {  	[timem:s3], [sflag:s2] =	dma.local @!p0 [hbm:s0], s1  }
0x48: {  	s0 =	simm.s32 @!p0 $0x2  }
0x49: {  	_ =	swait.ge @!p0 [sflag:s0], s1  }
0x4a: {  	s1 =	ssub.s32 @!p0 $0x0, s1;
	[sflag:s0] =	ssyncset.done @!p0 $0x0  }
0x4b: {  	[sflag:s0] =	ssyncadd.s32 @!p0 s1  }
0x4c: {  	[bflag:$0x3] =	sbarrier.arrive $0xFFFF  }
0x4d: {  	_ =	shalt  }

</sc_bundles>
